<compile_context>
chip_gen: v7x
topology: tpu7x:2x2x1
jax: 0.10.2.dev20260603
libtpu: 0.0.44.dev20260713+nightly
codegen_flags: <defaults>
</compile_context>

<pallas_src>
import functools

import jax
import jax.numpy as jnp
from jax import lax
from jax.experimental import pallas as pl
from jax.experimental.pallas import tpu as pltpu
from jax.experimental.pallas import tpu_sc as plsc

N_NODES = 10000
N_PAD = 10240
D = 128
N_EDGES = 320000
CW = 16
NC, NS = 2, 16
NW = NC * NS
E_PER_W = N_EDGES // NW
BE = 80
NB = E_PER_W // BE
ROWS_PER_TILE = N_PAD // NS
ZR = 64


def _agg_body(ego_hbm, tail_hbm, head_hbm, type_hbm, rel_hbm,
              acc_out, cnt_out,
              acc_sh, cnt_sh, tail_v, head_v, type_v, rows_v, rel_v,
              zb_v, zc_v, ones_v, sem1, sem2):
    cid = lax.axis_index("c")
    sid = lax.axis_index("s")
    wid = sid * NC + cid

    zero16 = jnp.zeros((16,), jnp.float32)
    one16 = jnp.ones((16,), jnp.float32)

    @pl.loop(0, ZR * (D // 16))
    def _(i):
        zb_v[i // (D // 16), pl.ds((i % (D // 16)) * 16, 16)] = zero16

    @pl.loop(0, ZR)
    def _(r):
        zc_v[r, :] = zero16

    @pl.loop(0, BE)
    def _(r):
        ones_v[r, :] = one16

    @pl.loop(0, ROWS_PER_TILE // ZR)
    def _(j):
        pltpu.sync_copy(
            zb_v, acc_sh.at[pl.ds(sid * ROWS_PER_TILE + j * ZR, ZR)])
        pltpu.sync_copy(
            zc_v, cnt_sh.at[pl.ds(sid * ROWS_PER_TILE + j * ZR, ZR)])
    plsc.subcore_barrier()

    base_e = wid * E_PER_W

    @pl.loop(0, NB)
    def _(b):
        off = base_e + b * BE
        pltpu.sync_copy(tail_hbm.at[pl.ds(off, BE)], tail_v)
        pltpu.sync_copy(head_hbm.at[pl.ds(off, BE)], head_v)
        pltpu.sync_copy(type_hbm.at[pl.ds(off, BE)], type_v)
        c1 = pltpu.async_copy(ego_hbm.at[tail_v], rows_v, sem1)
        c2 = pltpu.async_copy(rel_hbm.at[type_v], rel_v, sem2)
        c1.wait()
        c2.wait()

        @plsc.parallel_loop(0, BE * (D // 16), unroll=8)
        def _(i):
            e = i // (D // 16)
            jj = (i % (D // 16)) * 16
            rows_v[e, pl.ds(jj, 16)] = (
                rows_v[e, pl.ds(jj, 16)] * rel_v[e, pl.ds(jj, 16)])

        pltpu.sync_copy(rows_v, acc_sh.at[head_v], add=True)
        pltpu.sync_copy(ones_v, cnt_sh.at[head_v], add=True)

    plsc.subcore_barrier()
    r0 = sid * ROWS_PER_TILE
    pltpu.sync_copy(acc_sh.at[pl.ds(r0, ROWS_PER_TILE)],
                    acc_out.at[cid, pl.ds(r0, ROWS_PER_TILE)])
    pltpu.sync_copy(cnt_sh.at[pl.ds(r0, ROWS_PER_TILE)],
                    cnt_out.at[cid, pl.ds(r0, ROWS_PER_TILE)])


_agg_sc = pl.kernel(
    _agg_body,
    out_type=[
        jax.ShapeDtypeStruct((NC, N_PAD, D), jnp.float32),
        jax.ShapeDtypeStruct((NC, N_PAD, CW), jnp.float32),
    ],
    mesh=plsc.VectorSubcoreMesh(core_axis_name="c", subcore_axis_name="s"),
    compiler_params=pltpu.CompilerParams(use_tc_tiling_on_sc=False),
    scratch_types=[
        pltpu.VMEM_SHARED((N_PAD, D), jnp.float32),
        pltpu.VMEM_SHARED((N_PAD, CW), jnp.float32),
        pltpu.VMEM((BE,), jnp.int32),
        pltpu.VMEM((BE,), jnp.int32),
        pltpu.VMEM((BE,), jnp.int32),
        pltpu.VMEM((BE, D), jnp.float32),
        pltpu.VMEM((BE, D), jnp.float32),
        pltpu.VMEM((ZR, D), jnp.float32),
        pltpu.VMEM((ZR, CW), jnp.float32),
        pltpu.VMEM((BE, CW), jnp.float32),
        pltpu.SemaphoreType.DMA,
        pltpu.SemaphoreType.DMA,
    ],
)


ROW_BLK = 1024


def _norm_body(acc_ref, cnt_ref, res_ref, ego_out_ref, res_out_ref):
    a = acc_ref[0] + acc_ref[1]
    c = cnt_ref[0, :, 0:1] + cnt_ref[1, :, 0:1]
    mean = a / jnp.maximum(c, 1.0)
    n = jnp.sqrt(jnp.sum(mean * mean, axis=1, keepdims=True))
    ego = mean / jnp.maximum(n, 1e-12)
    ego_out_ref[...] = ego
    res_out_ref[...] = res_ref[...] + ego


def _norm_tc(acc, cnt, res):
    grid = (N_PAD // ROW_BLK,)
    return pl.pallas_call(
        _norm_body,
        grid=grid,
        in_specs=[
            pl.BlockSpec((NC, ROW_BLK, D), lambda i: (0, i, 0)),
            pl.BlockSpec((NC, ROW_BLK, CW), lambda i: (0, i, 0)),
            pl.BlockSpec((ROW_BLK, D), lambda i: (i, 0)),
        ],
        out_specs=[
            pl.BlockSpec((ROW_BLK, D), lambda i: (i, 0)),
            pl.BlockSpec((ROW_BLK, D), lambda i: (i, 0)),
        ],
        out_shape=[
            jax.ShapeDtypeStruct((N_PAD, D), jnp.float32),
            jax.ShapeDtypeStruct((N_PAD, D), jnp.float32),
        ],
    )(acc, cnt, res)


@jax.jit
def kernel(ego_embed, edge_index, edge_type, relation_embed, dropout):
    head = edge_index[0].astype(jnp.int32)
    tail = edge_index[1].astype(jnp.int32)
    typ = edge_type.astype(jnp.int32)
    ego = jnp.pad(ego_embed, ((0, N_PAD - N_NODES), (0, 0)))
    res = ego
    for _ in range(2):
        acc, cnt = _agg_sc(ego, tail, head, typ, relation_embed)
        ego, res = _norm_tc(acc, cnt, res)
    return res[:N_NODES]

# --- scband reference (transcript-rebuilt; emitter-appended) ---
"""Pipeline reference for scband-graph-conv-309237645951 (READ-ONLY COPY).

The authoritative reference and input builder live on the scoring server;
editing this copy changes nothing except your own understanding.
"""

import jax, jax.numpy as jnp
import numpy as np

N_NODES = 10000
N_EDGES = 320000
D = 128
N_REL = 16
N_HOPS = 2

def setup_inputs(seed: int = 0) -> dict:
    key = jax.random.key(seed)
    k1, k2, k3, k4 = jax.random.split(key, 4)
    ego_embed = jax.random.normal(k1, (N_NODES, D), dtype=jnp.float32)
    edge_index = jax.random.randint(k2, (2, N_EDGES), 0, N_NODES, dtype=jnp.int64)
    edge_type = jax.random.randint(k3, (N_EDGES,), 0, N_REL, dtype=jnp.int64)
    relation_embed = jax.random.normal(k4, (N_REL, D), dtype=jnp.float32)
    return {"ego_embed": ego_embed, "edge_index": edge_index, "edge_type": edge_type, "relation_embed": relation_embed, "dropout": 0}

def _l2_normalize(x, eps=1e-12):
    # matches torch F.normalize(p=2, dim=1): x / max(||x||_2, eps)
    norm = jnp.sqrt(jnp.sum(x * x, axis=1, keepdims=True))
    return x / jnp.maximum(norm, eps)

def _aggregate(entity_emb, edge_index, edge_type, relation_embed):
    # KGIN-style Aggregator: neigh = e[tail] * r[edge_type]; scatter-mean into head
    head = edge_index[0]
    tail = edge_index[1]
    edge_rel = relation_embed[edge_type]            # gather [E, D]
    neigh = entity_emb[tail] * edge_rel             # gather + elemwise [E, D]
    agg = jax.ops.segment_sum(neigh, head, num_segments=N_NODES)
    cnt = jax.ops.segment_sum(jnp.ones((neigh.shape[0],), dtype=neigh.dtype), head, num_segments=N_NODES)
    agg = agg / jnp.maximum(cnt, 1.0)[:, None]      # scatter-mean
    return agg

def reference(ego_embed, edge_index, edge_type, relation_embed, dropout):
    # dropout=0 (eval path): no edge sampling, no feature dropout
    ego_res_embed = ego_embed
    ego = ego_embed
    for _ in range(N_HOPS):
        ego = _aggregate(ego, edge_index, edge_type, relation_embed)
        ego = _l2_normalize(ego)
        ego_res_embed = ego_res_embed + ego
    return ego_res_embed

if __name__ == "__main__":
    import jax
    _d = setup_inputs()
    print(jax.jit(kernel)(*tuple(_d.values())))

</pallas_src>

<mosaic_0001>
#map = affine_map<(d0, d1) -> (0, 0)>
#map1 = affine_map<(d0, d1) -> (0)>
#map2 = affine_map<(d0, d1) -> (0, 0, 0)>
module attributes {stable_mosaic.version = 14 : i64} {
  func.func @_agg_body(%arg0: i32, %arg1: i32, %arg2: memref<10240x128xf32, #tpu.memory_space<hbm>>, %arg3: memref<320000xi32, #tpu.memory_space<hbm>>, %arg4: memref<320000xi32, #tpu.memory_space<hbm>>, %arg5: memref<320000xi32, #tpu.memory_space<hbm>>, %arg6: memref<16x128xf32, #tpu.memory_space<hbm>>, %arg7: memref<2x10240x128xf32, #tpu.memory_space<hbm>>, %arg8: memref<2x10240x16xf32, #tpu.memory_space<hbm>>, %arg9: memref<10240x128xf32, #tpu.memory_space<vmem_shared>>, %arg10: memref<10240x16xf32, #tpu.memory_space<vmem_shared>>, %arg11: memref<80xi32, #tpu.memory_space<vmem>>, %arg12: memref<80xi32, #tpu.memory_space<vmem>>, %arg13: memref<80xi32, #tpu.memory_space<vmem>>, %arg14: memref<80x128xf32, #tpu.memory_space<vmem>>, %arg15: memref<80x128xf32, #tpu.memory_space<vmem>>, %arg16: memref<64x128xf32, #tpu.memory_space<vmem>>, %arg17: memref<64x16xf32, #tpu.memory_space<vmem>>, %arg18: memref<80x16xf32, #tpu.memory_space<vmem>>, %arg19: memref<!tpu.dma_semaphore, #tpu.memory_space<semaphore_mem>>, %arg20: memref<!tpu.dma_semaphore, #tpu.memory_space<semaphore_mem>>) attributes {dimension_semantics = [#tpu.dimension_semantics<core_parallel>, #tpu.dimension_semantics<subcore_parallel>], iteration_bounds = array<i64: 2, 16>, scalar_prefetch = 0 : i64, scratch_operands = 12 : i64, tpu.core_type = #tpu.core_type<sc_vector_subcore>, window_params = [{transform_indices = #map}, {transform_indices = #map1}, {transform_indices = #map1}, {transform_indices = #map1}, {transform_indices = #map}, {transform_indices = #map2}, {transform_indices = #map2}]} {
    %mul3A = arith.constant 2 : i32
    %mul3A_0 = arith.muli %arg1, %mul3A : i32
    %add3A = arith.addi %mul3A_0, %arg0 : i32
    %broadcast_in_dim3A = arith.constant 0.000000e+00 : f32
    %broadcast_in_dim3A_1 = vector.broadcast %broadcast_in_dim3A : f32 to vector<16xf32>
    %broadcast_in_dim3A_2 = arith.constant 1.000000e+00 : f32
    %broadcast_in_dim3A_3 = vector.broadcast %broadcast_in_dim3A_2 : f32 to vector<16xf32>
    %scan3A = arith.constant 0 : i32
    %scan3A_4 = arith.constant 512 : i32
    %scan3A_5 = arith.addi %scan3A, %scan3A_4 : i32
    %scan3A_6 = arith.constant 1 : i32
    scf.for %scan3A_33 = %scan3A to %scan3A_5 step %scan3A_6  : i32 {
      %mul3A_34 = arith.constant 1 : i32
      %mul3A_35 = arith.muli %scan3A_33, %mul3A_34 : i32
      %add3A_36 = arith.constant 0 : i32
      %add3A_37 = arith.addi %add3A_36, %mul3A_35 : i32
      %jit3A = arith.constant 8 : i32
      %div3A = arith.divsi %add3A_37, %jit3A : i32
      %sign3A = arith.constant 0 : i32
      %sign3A_38 = arith.cmpi sgt, %add3A_37, %sign3A : i32
      %sign3A_39 = arith.extui %sign3A_38 : i1 to i32
      %sign3A_40 = arith.constant 0 : i32
      %sign3A_41 = arith.cmpi slt, %add3A_37, %sign3A_40 : i32
      %sign3A_42 = arith.extui %sign3A_41 : i1 to i32
      %sign3A_43 = arith.subi %sign3A_39, %sign3A_42 : i32
      %sign3A_44 = arith.constant 0 : i32
      %sign3A_45 = arith.cmpi sgt, %jit3A, %sign3A_44 : i32
      %sign3A_46 = arith.extui %sign3A_45 : i1 to i32
      %sign3A_47 = arith.constant 0 : i32
      %sign3A_48 = arith.cmpi slt, %jit3A, %sign3A_47 : i32
      %sign3A_49 = arith.extui %sign3A_48 : i1 to i32
      %sign3A_50 = arith.subi %sign3A_46, %sign3A_49 : i32
      %ne3A = arith.cmpi ne, %sign3A_43, %sign3A_50 : i32
      %rem3A = arith.remsi %add3A_37, %jit3A : i32
      %ne3A_51 = arith.constant 0 : i32
      %ne3A_52 = arith.cmpi ne, %rem3A, %ne3A_51 : i32
      %and3A = arith.andi %ne3A, %ne3A_52 : i1
      %sub3A = arith.constant 1 : i32
      %sub3A_53 = arith.subi %div3A, %sub3A : i32
      %select_n3A = arith.select %and3A, %sub3A_53, %div3A : i32
      %jit3A_54 = arith.constant 8 : i32
      %eq3A = arith.constant 0 : i32
      %eq3A_55 = arith.cmpi eq, %jit3A_54, %eq3A : i32
      %jit3A_56 = arith.constant 1 : i32
      %select_n3A_57 = arith.select %eq3A_55, %jit3A_56, %jit3A_54 : i32
      %rem3A_58 = arith.remsi %add3A_37, %select_n3A_57 : i32
      %ne3A_59 = arith.constant 0 : i32
      %ne3A_60 = arith.cmpi ne, %rem3A_58, %ne3A_59 : i32
      %lt3A = arith.constant 0 : i32
      %lt3A_61 = arith.cmpi slt, %rem3A_58, %lt3A : i32
      %lt3A_62 = arith.constant 0 : i32
      %lt3A_63 = arith.cmpi slt, %select_n3A_57, %lt3A_62 : i32
      %ne3A_64 = arith.xori %lt3A_61, %lt3A_63 : i1
      %and3A_65 = arith.andi %ne3A_64, %ne3A_60 : i1
      %add3A_66 = arith.addi %rem3A_58, %select_n3A_57 : i32
      %select_n3A_67 = arith.select %and3A_65, %add3A_66, %rem3A_58 : i32
      %mul3A_68 = arith.constant 16 : i32
      %mul3A_69 = arith.muli %select_n3A_67, %mul3A_68 : i32
      %swap3A = arith.index_cast %select_n3A : i32 to index
      %swap3A_70 = arith.index_cast %mul3A_69 : i32 to index
      %swap3A_71 = tpu.vector_load %arg16[%swap3A, %swap3A_70] {strides = array<i32>} : memref<64x128xf32, #tpu.memory_space<vmem>>, vector<1x16xf32>,
      %swap3A_72 = vector.shape_cast %swap3A_71 : vector<1x16xf32> to vector<16xf32>
      %swap3A_73 = vector.shape_cast %broadcast_in_dim3A_1 : vector<16xf32> to vector<1x16xf32>
      tpu.vector_store %arg16[%swap3A, %swap3A_70], %swap3A_73 {strides = array<i32>} : memref<64x128xf32, #tpu.memory_space<vmem>>, vector<1x16xf32>,
    }
    %scan3A_7 = arith.constant 512 : i32
    %scan3A_8 = arith.constant 0 : i32
    %scan3A_9 = arith.constant 64 : i32
    %scan3A_10 = arith.addi %scan3A_8, %scan3A_9 : i32
    %scan3A_11 = arith.constant 1 : i32
    scf.for %scan3A_33 = %scan3A_8 to %scan3A_10 step %scan3A_11  : i32 {
      %mul3A_34 = arith.constant 1 : i32
      %mul3A_35 = arith.muli %scan3A_33, %mul3A_34 : i32
      %add3A_36 = arith.constant 0 : i32
      %add3A_37 = arith.addi %add3A_36, %mul3A_35 : i32
      %swap3A = arith.index_cast %add3A_37 : i32 to index
      %swap3A_38 = arith.constant 0 : index
      %swap3A_39 = tpu.vector_load %arg17[%swap3A, %swap3A_38] {strides = array<i32>} : memref<64x16xf32, #tpu.memory_space<vmem>>, vector<1x16xf32>,
      %swap3A_40 = vector.shape_cast %swap3A_39 : vector<1x16xf32> to vector<16xf32>
      %swap3A_41 = vector.shape_cast %broadcast_in_dim3A_1 : vector<16xf32> to vector<1x16xf32>
      tpu.vector_store %arg17[%swap3A, %swap3A_38], %swap3A_41 {strides = array<i32>} : memref<64x16xf32, #tpu.memory_space<vmem>>, vector<1x16xf32>,
    }
    %scan3A_12 = arith.constant 64 : i32
    %scan3A_13 = arith.constant 0 : i32
    %scan3A_14 = arith.constant 80 : i32
    %scan3A_15 = arith.addi %scan3A_13, %scan3A_14 : i32
    %scan3A_16 = arith.constant 1 : i32
    scf.for %scan3A_33 = %scan3A_13 to %scan3A_15 step %scan3A_16  : i32 {
      %mul3A_34 = arith.constant 1 : i32
      %mul3A_35 = arith.muli %scan3A_33, %mul3A_34 : i32
      %add3A_36 = arith.constant 0 : i32
      %add3A_37 = arith.addi %add3A_36, %mul3A_35 : i32
      %swap3A = arith.index_cast %add3A_37 : i32 to index
      %swap3A_38 = arith.constant 0 : index
      %swap3A_39 = tpu.vector_load %arg18[%swap3A, %swap3A_38] {strides = array<i32>} : memref<80x16xf32, #tpu.memory_space<vmem>>, vector<1x16xf32>,
      %swap3A_40 = vector.shape_cast %swap3A_39 : vector<1x16xf32> to vector<16xf32>
      %swap3A_41 = vector.shape_cast %broadcast_in_dim3A_3 : vector<16xf32> to vector<1x16xf32>
      tpu.vector_store %arg18[%swap3A, %swap3A_38], %swap3A_41 {strides = array<i32>} : memref<80x16xf32, #tpu.memory_space<vmem>>, vector<1x16xf32>,
    }
    %scan3A_17 = arith.constant 80 : i32
    %scan3A_18 = arith.constant 0 : i32
    %scan3A_19 = arith.constant 10 : i32
    %scan3A_20 = arith.addi %scan3A_18, %scan3A_19 : i32
    %scan3A_21 = arith.constant 1 : i32
    scf.for %scan3A_33 = %scan3A_18 to %scan3A_20 step %scan3A_21  : i32 {
      %mul3A_34 = arith.constant 1 : i32
      %mul3A_35 = arith.muli %scan3A_33, %mul3A_34 : i32
      %add3A_36 = arith.constant 0 : i32
      %add3A_37 = arith.addi %add3A_36, %mul3A_35 : i32
      %mul3A_38 = arith.constant 640 : i32
      %mul3A_39 = arith.muli %arg1, %mul3A_38 : i32
      %mul3A_40 = arith.constant 64 : i32
      %mul3A_41 = arith.muli %add3A_37, %mul3A_40 : i32
      %add3A_42 = arith.addi %mul3A_39, %mul3A_41 : i32
      "tpu.region"() ({
        %run_scoped3A = tpu.sem_alloc : memref<!tpu.dma_semaphore, #tpu.memory_space<semaphore_mem>>
        %dma_start3A = arith.constant 0 : i32
        %dma_start3A_48 = tpu.memref_slice %arg9[%add3A_42, %dma_start3A] : memref<10240x128xf32, #tpu.memory_space<vmem_shared>> -> memref<64x128xf32, #tpu.memory_space<vmem_shared>>
        %dma_start3A_49 = arith.constant 0 : i32
        %dma_start3A_50 = tpu.memref_slice %arg9[%add3A_42, %dma_start3A_49] : memref<10240x128xf32, #tpu.memory_space<vmem_shared>> -> memref<64x128xf32, #tpu.memory_space<vmem_shared>>
        tpu.enqueue_dma source(%arg16 : memref<64x128xf32, #tpu.memory_space<vmem>>) target(%dma_start3A_50 : memref<64x128xf32, #tpu.memory_space<vmem_shared>>) target_semaphore(%run_scoped3A : memref<!tpu.dma_semaphore, #tpu.memory_space<semaphore_mem>>)
        %dma_wait3A = arith.constant 0 : i32
        %dma_wait3A_51 = tpu.memref_slice %arg9[%add3A_42, %dma_wait3A] : memref<10240x128xf32, #tpu.memory_space<vmem_shared>> -> memref<64x128xf32, #tpu.memory_space<vmem_shared>>
        %dma_wait3A_52 = arith.constant 0 : i32
        %dma_wait3A_53 = tpu.memref_slice %arg9[%add3A_42, %dma_wait3A_52] : memref<10240x128xf32, #tpu.memory_space<vmem_shared>> -> memref<64x128xf32, #tpu.memory_space<vmem_shared>>
        tpu.wait_dma2 semaphore(%run_scoped3A : memref<!tpu.dma_semaphore, #tpu.memory_space<semaphore_mem>>) src(%arg16 : memref<64x128xf32, #tpu.memory_space<vmem>>) dst(%dma_wait3A_53 : memref<64x128xf32, #tpu.memory_space<vmem_shared>>)
        tpu.yield
      }) : () -> ()
      %mul3A_43 = arith.constant 640 : i32
      %mul3A_44 = arith.muli %arg1, %mul3A_43 : i32
      %mul3A_45 = arith.constant 64 : i32
      %mul3A_46 = arith.muli %add3A_37, %mul3A_45 : i32
      %add3A_47 = arith.addi %mul3A_44, %mul3A_46 : i32
      "tpu.region"() ({
        %run_scoped3A = tpu.sem_alloc : memref<!tpu.dma_semaphore, #tpu.memory_space<semaphore_mem>>
        %dma_start3A = arith.constant 0 : i32
        %dma_start3A_48 = tpu.memref_slice %arg10[%add3A_47, %dma_start3A] : memref<10240x16xf32, #tpu.memory_space<vmem_shared>> -> memref<64x16xf32, #tpu.memory_space<vmem_shared>>
        %dma_start3A_49 = arith.constant 0 : i32
        %dma_start3A_50 = tpu.memref_slice %arg10[%add3A_47, %dma_start3A_49] : memref<10240x16xf32, #tpu.memory_space<vmem_shared>> -> memref<64x16xf32, #tpu.memory_space<vmem_shared>>
        tpu.enqueue_dma source(%arg17 : memref<64x16xf32, #tpu.memory_space<vmem>>) target(%dma_start3A_50 : memref<64x16xf32, #tpu.memory_space<vmem_shared>>) target_semaphore(%run_scoped3A : memref<!tpu.dma_semaphore, #tpu.memory_space<semaphore_mem>>)
        %dma_wait3A = arith.constant 0 : i32
        %dma_wait3A_51 = tpu.memref_slice %arg10[%add3A_47, %dma_wait3A] : memref<10240x16xf32, #tpu.memory_space<vmem_shared>> -> memref<64x16xf32, #tpu.memory_space<vmem_shared>>
        %dma_wait3A_52 = arith.constant 0 : i32
        %dma_wait3A_53 = tpu.memref_slice %arg10[%add3A_47, %dma_wait3A_52] : memref<10240x16xf32, #tpu.memory_space<vmem_shared>> -> memref<64x16xf32, #tpu.memory_space<vmem_shared>>
        tpu.wait_dma2 semaphore(%run_scoped3A : memref<!tpu.dma_semaphore, #tpu.memory_space<semaphore_mem>>) src(%arg17 : memref<64x16xf32, #tpu.memory_space<vmem>>) dst(%dma_wait3A_53 : memref<64x16xf32, #tpu.memory_space<vmem_shared>>)
        tpu.yield
      }) : () -> ()
    }
    %scan3A_22 = arith.constant 10 : i32
    %barrier3A = arith.constant 0 : index
    tpu.barrier barrier_id(%barrier3A)
    %mul3A_23 = arith.constant 10000 : i32
    %mul3A_24 = arith.muli %add3A, %mul3A_23 : i32
    %scan3A_25 = arith.constant 0 : i32
    %scan3A_26 = arith.constant 125 : i32
    %scan3A_27 = arith.addi %scan3A_25, %scan3A_26 : i32
    %scan3A_28 = arith.constant 1 : i32
    scf.for %scan3A_33 = %scan3A_25 to %scan3A_27 step %scan3A_28  : i32 {
      %mul3A_34 = arith.constant 1 : i32
      %mul3A_35 = arith.muli %scan3A_33, %mul3A_34 : i32
      %add3A_36 = arith.constant 0 : i32
      %add3A_37 = arith.addi %add3A_36, %mul3A_35 : i32
      %mul3A_38 = arith.constant 80 : i32
      %mul3A_39 = arith.muli %add3A_37, %mul3A_38 : i32
      %add3A_40 = arith.addi %mul3A_24, %mul3A_39 : i32
      "tpu.region"() ({
        %run_scoped3A = tpu.sem_alloc : memref<!tpu.dma_semaphore, #tpu.memory_space<semaphore_mem>>
        %dma_start3A_53 = tpu.memref_slice %arg3[%add3A_40] : memref<320000xi32, #tpu.memory_space<hbm>> -> memref<80xi32, #tpu.memory_space<hbm>>
        %dma_start3A_54 = tpu.memref_slice %arg3[%add3A_40] : memref<320000xi32, #tpu.memory_space<hbm>> -> memref<80xi32, #tpu.memory_space<hbm>>
        tpu.enqueue_dma source(%dma_start3A_54 : memref<80xi32, #tpu.memory_space<hbm>>) target(%arg11 : memref<80xi32, #tpu.memory_space<vmem>>) target_semaphore(%run_scoped3A : memref<!tpu.dma_semaphore, #tpu.memory_space<semaphore_mem>>)
        %dma_wait3A_55 = tpu.memref_slice %arg3[%add3A_40] : memref<320000xi32, #tpu.memory_space<hbm>> -> memref<80xi32, #tpu.memory_space<hbm>>
        %dma_wait3A_56 = tpu.memref_slice %arg3[%add3A_40] : memref<320000xi32, #tpu.memory_space<hbm>> -> memref<80xi32, #tpu.memory_space<hbm>>
        tpu.wait_dma2 semaphore(%run_scoped3A : memref<!tpu.dma_semaphore, #tpu.memory_space<semaphore_mem>>) src(%dma_wait3A_56 : memref<80xi32, #tpu.memory_space<hbm>>) dst(%arg11 : memref<80xi32, #tpu.memory_space<vmem>>)
        tpu.yield
      }) : () -> ()
      "tpu.region"() ({
        %run_scoped3A = tpu.sem_alloc : memref<!tpu.dma_semaphore, #tpu.memory_space<semaphore_mem>>
        %dma_start3A_53 = tpu.memref_slice %arg4[%add3A_40] : memref<320000xi32, #tpu.memory_space<hbm>> -> memref<80xi32, #tpu.memory_space<hbm>>
        %dma_start3A_54 = tpu.memref_slice %arg4[%add3A_40] : memref<320000xi32, #tpu.memory_space<hbm>> -> memref<80xi32, #tpu.memory_space<hbm>>
        tpu.enqueue_dma source(%dma_start3A_54 : memref<80xi32, #tpu.memory_space<hbm>>) target(%arg12 : memref<80xi32, #tpu.memory_space<vmem>>) target_semaphore(%run_scoped3A : memref<!tpu.dma_semaphore, #tpu.memory_space<semaphore_mem>>)
        %dma_wait3A_55 = tpu.memref_slice %arg4[%add3A_40] : memref<320000xi32, #tpu.memory_space<hbm>> -> memref<80xi32, #tpu.memory_space<hbm>>
        %dma_wait3A_56 = tpu.memref_slice %arg4[%add3A_40] : memref<320000xi32, #tpu.memory_space<hbm>> -> memref<80xi32, #tpu.memory_space<hbm>>
        tpu.wait_dma2 semaphore(%run_scoped3A : memref<!tpu.dma_semaphore, #tpu.memory_space<semaphore_mem>>) src(%dma_wait3A_56 : memref<80xi32, #tpu.memory_space<hbm>>) dst(%arg12 : memref<80xi32, #tpu.memory_space<vmem>>)
        tpu.yield
      }) : () -> ()
      "tpu.region"() ({
        %run_scoped3A = tpu.sem_alloc : memref<!tpu.dma_semaphore, #tpu.memory_space<semaphore_mem>>
        %dma_start3A_53 = tpu.memref_slice %arg5[%add3A_40] : memref<320000xi32, #tpu.memory_space<hbm>> -> memref<80xi32, #tpu.memory_space<hbm>>
        %dma_start3A_54 = tpu.memref_slice %arg5[%add3A_40] : memref<320000xi32, #tpu.memory_space<hbm>> -> memref<80xi32, #tpu.memory_space<hbm>>
        tpu.enqueue_dma source(%dma_start3A_54 : memref<80xi32, #tpu.memory_space<hbm>>) target(%arg13 : memref<80xi32, #tpu.memory_space<vmem>>) target_semaphore(%run_scoped3A : memref<!tpu.dma_semaphore, #tpu.memory_space<semaphore_mem>>)
        %dma_wait3A_55 = tpu.memref_slice %arg5[%add3A_40] : memref<320000xi32, #tpu.memory_space<hbm>> -> memref<80xi32, #tpu.memory_space<hbm>>
        %dma_wait3A_56 = tpu.memref_slice %arg5[%add3A_40] : memref<320000xi32, #tpu.memory_space<hbm>> -> memref<80xi32, #tpu.memory_space<hbm>>
        tpu.wait_dma2 semaphore(%run_scoped3A : memref<!tpu.dma_semaphore, #tpu.memory_space<semaphore_mem>>) src(%dma_wait3A_56 : memref<80xi32, #tpu.memory_space<hbm>>) dst(%arg13 : memref<80xi32, #tpu.memory_space<vmem>>)
        tpu.yield
      }) : () -> ()
      %dma_start3A = arith.constant 0 : i32
      %dma_start3A_41 = arith.constant 0 : i32
      %dma_start3A_42 = tpu.memref_slice %arg2[%dma_start3A, %dma_start3A_41] : memref<10240x128xf32, #tpu.memory_space<hbm>> -> memref<10240x128xf32, #tpu.memory_space<hbm>>
      tpu.enqueue_indirect_dma source(%dma_start3A_42 : memref<10240x128xf32, #tpu.memory_space<hbm>>) target(%arg14 : memref<80x128xf32, #tpu.memory_space<vmem>>) offsets(%arg11 : memref<80xi32, #tpu.memory_space<vmem>>) semaphore(%arg19 : memref<!tpu.dma_semaphore, #tpu.memory_space<semaphore_mem>>)
      %dma_start3A_43 = arith.constant 0 : i32
      %dma_start3A_44 = arith.constant 0 : i32
      %dma_start3A_45 = tpu.memref_slice %arg6[%dma_start3A_43, %dma_start3A_44] : memref<16x128xf32, #tpu.memory_space<hbm>> -> memref<16x128xf32, #tpu.memory_space<hbm>>
      tpu.enqueue_indirect_dma source(%dma_start3A_45 : memref<16x128xf32, #tpu.memory_space<hbm>>) target(%arg15 : memref<80x128xf32, #tpu.memory_space<vmem>>) offsets(%arg13 : memref<80xi32, #tpu.memory_space<vmem>>) semaphore(%arg20 : memref<!tpu.dma_semaphore, #tpu.memory_space<semaphore_mem>>)
      %dma_wait3A = arith.constant 0 : i32
      %dma_wait3A_46 = arith.constant 0 : i32
      %dma_wait3A_47 = tpu.memref_slice %arg2[%dma_wait3A, %dma_wait3A_46] : memref<10240x128xf32, #tpu.memory_space<hbm>> -> memref<10240x128xf32, #tpu.memory_space<hbm>>
      tpu.wait_indirect_dma semaphore(%arg19 : memref<!tpu.dma_semaphore, #tpu.memory_space<semaphore_mem>>) src(%dma_wait3A_47 : memref<10240x128xf32, #tpu.memory_space<hbm>>) dst(%arg14 : memref<80x128xf32, #tpu.memory_space<vmem>>)
      %dma_wait3A_48 = arith.constant 0 : i32
      %dma_wait3A_49 = arith.constant 0 : i32
      %dma_wait3A_50 = tpu.memref_slice %arg6[%dma_wait3A_48, %dma_wait3A_49] : memref<16x128xf32, #tpu.memory_space<hbm>> -> memref<16x128xf32, #tpu.memory_space<hbm>>
      tpu.wait_indirect_dma semaphore(%arg20 : memref<!tpu.dma_semaphore, #tpu.memory_space<semaphore_mem>>) src(%dma_wait3A_50 : memref<16x128xf32, #tpu.memory_space<hbm>>) dst(%arg15 : memref<80x128xf32, #tpu.memory_space<vmem>>)
      %parallel_loop3A = arith.constant 0 : i32
      %parallel_loop3A_51 = arith.constant 640 : i32
      %parallel_loop3A_52 = arith.constant 1 : i32
      scf.for %parallel_loop3A_53 = %parallel_loop3A to %parallel_loop3A_51 step %parallel_loop3A_52  : i32 {
        %parallel_loop3A_54 = arith.constant 8 : i32
        %parallel_loop3A_55 = arith.divsi %parallel_loop3A_53, %parallel_loop3A_54 : i32
        %parallel_loop3A_56 = arith.constant 0 : i32
        %parallel_loop3A_57 = arith.cmpi sgt, %parallel_loop3A_53, %parallel_loop3A_56 : i32
        %parallel_loop3A_58 = arith.extui %parallel_loop3A_57 : i1 to i32
        %parallel_loop3A_59 = arith.constant 0 : i32
        %parallel_loop3A_60 = arith.cmpi slt, %parallel_loop3A_53, %parallel_loop3A_59 : i32
        %parallel_loop3A_61 = arith.extui %parallel_loop3A_60 : i1 to i32
        %parallel_loop3A_62 = arith.subi %parallel_loop3A_58, %parallel_loop3A_61 : i32
        %parallel_loop3A_63 = arith.constant 0 : i32
        %parallel_loop3A_64 = arith.cmpi sgt, %parallel_loop3A_54, %parallel_loop3A_63 : i32
        %parallel_loop3A_65 = arith.extui %parallel_loop3A_64 : i1 to i32
        %parallel_loop3A_66 = arith.constant 0 : i32
        %parallel_loop3A_67 = arith.cmpi slt, %parallel_loop3A_54, %parallel_loop3A_66 : i32
        %parallel_loop3A_68 = arith.extui %parallel_loop3A_67 : i1 to i32
        %parallel_loop3A_69 = arith.subi %parallel_loop3A_65, %parallel_loop3A_68 : i32
        %parallel_loop3A_70 = arith.cmpi ne, %parallel_loop3A_62, %parallel_loop3A_69 : i32
        %parallel_loop3A_71 = arith.remsi %parallel_loop3A_53, %parallel_loop3A_54 : i32
        %parallel_loop3A_72 = arith.constant 0 : i32
        %parallel_loop3A_73 = arith.cmpi ne, %parallel_loop3A_71, %parallel_loop3A_72 : i32
        %parallel_loop3A_74 = arith.andi %parallel_loop3A_70, %parallel_loop3A_73 : i1
        %parallel_loop3A_75 = arith.constant 1 : i32
        %parallel_loop3A_76 = arith.subi %parallel_loop3A_55, %parallel_loop3A_75 : i32
        %parallel_loop3A_77 = arith.select %parallel_loop3A_74, %parallel_loop3A_76, %parallel_loop3A_55 : i32
        %parallel_loop3A_78 = arith.constant 8 : i32
        %parallel_loop3A_79 = arith.constant 0 : i32
        %parallel_loop3A_80 = arith.cmpi eq, %parallel_loop3A_78, %parallel_loop3A_79 : i32
        %parallel_loop3A_81 = arith.constant 1 : i32
        %parallel_loop3A_82 = arith.select %parallel_loop3A_80, %parallel_loop3A_81, %parallel_loop3A_78 : i32
        %parallel_loop3A_83 = arith.remsi %parallel_loop3A_53, %parallel_loop3A_82 : i32
        %parallel_loop3A_84 = arith.constant 0 : i32
        %parallel_loop3A_85 = arith.cmpi ne, %parallel_loop3A_83, %parallel_loop3A_84 : i32
        %parallel_loop3A_86 = arith.constant 0 : i32
        %parallel_loop3A_87 = arith.cmpi slt, %parallel_loop3A_83, %parallel_loop3A_86 : i32
        %parallel_loop3A_88 = arith.constant 0 : i32
        %parallel_loop3A_89 = arith.cmpi slt, %parallel_loop3A_82, %parallel_loop3A_88 : i32
        %parallel_loop3A_90 = arith.xori %parallel_loop3A_87, %parallel_loop3A_89 : i1
        %parallel_loop3A_91 = arith.andi %parallel_loop3A_90, %parallel_loop3A_85 : i1
        %parallel_loop3A_92 = arith.addi %parallel_loop3A_83, %parallel_loop3A_82 : i32
        %parallel_loop3A_93 = arith.select %parallel_loop3A_91, %parallel_loop3A_92, %parallel_loop3A_83 : i32
        %parallel_loop3A_94 = arith.constant 16 : i32
        %parallel_loop3A_95 = arith.muli %parallel_loop3A_93, %parallel_loop3A_94 : i32
        %parallel_loop3A_96 = arith.index_cast %parallel_loop3A_77 : i32 to index
        %parallel_loop3A_97 = arith.index_cast %parallel_loop3A_95 : i32 to index
        %parallel_loop3A_98 = tpu.vector_load %arg14[%parallel_loop3A_96, %parallel_loop3A_97] {strides = array<i32>} : memref<80x128xf32, #tpu.memory_space<vmem>>, vector<1x16xf32>,
        %parallel_loop3A_99 = vector.shape_cast %parallel_loop3A_98 : vector<1x16xf32> to vector<16xf32>
        %parallel_loop3A_100 = arith.index_cast %parallel_loop3A_77 : i32 to index
        %parallel_loop3A_101 = arith.index_cast %parallel_loop3A_95 : i32 to index
        %parallel_loop3A_102 = tpu.vector_load %arg15[%parallel_loop3A_100, %parallel_loop3A_101] {strides = array<i32>} : memref<80x128xf32, #tpu.memory_space<vmem>>, vector<1x16xf32>,
        %parallel_loop3A_103 = vector.shape_cast %parallel_loop3A_102 : vector<1x16xf32> to vector<16xf32>
        %parallel_loop3A_104 = arith.mulf %parallel_loop3A_99, %parallel_loop3A_103 : vector<16xf32>
        %parallel_loop3A_105 = arith.index_cast %parallel_loop3A_77 : i32 to index
        %parallel_loop3A_106 = arith.index_cast %parallel_loop3A_95 : i32 to index
        %parallel_loop3A_107 = tpu.vector_load %arg14[%parallel_loop3A_105, %parallel_loop3A_106] {strides = array<i32>} : memref<80x128xf32, #tpu.memory_space<vmem>>, vector<1x16xf32>,
        %parallel_loop3A_108 = vector.shape_cast %parallel_loop3A_107 : vector<1x16xf32> to vector<16xf32>
        %parallel_loop3A_109 = vector.shape_cast %parallel_loop3A_104 : vector<16xf32> to vector<1x16xf32>
        tpu.vector_store %arg14[%parallel_loop3A_105, %parallel_loop3A_106], %parallel_loop3A_109 {strides = array<i32>} : memref<80x128xf32, #tpu.memory_space<vmem>>, vector<1x16xf32>,
      } {sc.loop_unroll_factor = 8 : i64, sc.parallel_access}
      "tpu.region"() ({
        %run_scoped3A = tpu.sem_alloc : memref<!tpu.dma_semaphore, #tpu.memory_space<semaphore_mem>>
        %dma_start3A_53 = arith.constant 0 : i32
        %dma_start3A_54 = arith.constant 0 : i32
        %dma_start3A_55 = tpu.memref_slice %arg9[%dma_start3A_53, %dma_start3A_54] : memref<10240x128xf32, #tpu.memory_space<vmem_shared>> -> memref<10240x128xf32, #tpu.memory_space<vmem_shared>>
        tpu.enqueue_indirect_dma source(%arg14 : memref<80x128xf32, #tpu.memory_space<vmem>>) target(%dma_start3A_55 : memref<10240x128xf32, #tpu.memory_space<vmem_shared>>) offsets(%arg12 : memref<80xi32, #tpu.memory_space<vmem>>) semaphore(%run_scoped3A : memref<!tpu.dma_semaphore, #tpu.memory_space<semaphore_mem>>) {add = true}
        %dma_wait3A_56 = arith.constant 0 : i32
        %dma_wait3A_57 = arith.constant 0 : i32
        %dma_wait3A_58 = tpu.memref_slice %arg9[%dma_wait3A_56, %dma_wait3A_57] : memref<10240x128xf32, #tpu.memory_space<vmem_shared>> -> memref<10240x128xf32, #tpu.memory_space<vmem_shared>>
        tpu.wait_indirect_dma semaphore(%run_scoped3A : memref<!tpu.dma_semaphore, #tpu.memory_space<semaphore_mem>>) src(%arg14 : memref<80x128xf32, #tpu.memory_space<vmem>>) dst(%dma_wait3A_58 : memref<10240x128xf32, #tpu.memory_space<vmem_shared>>)
        tpu.yield
      }) : () -> ()
      "tpu.region"() ({
        %run_scoped3A = tpu.sem_alloc : memref<!tpu.dma_semaphore, #tpu.memory_space<semaphore_mem>>
        %dma_start3A_53 = arith.constant 0 : i32
        %dma_start3A_54 = arith.constant 0 : i32
        %dma_start3A_55 = tpu.memref_slice %arg10[%dma_start3A_53, %dma_start3A_54] : memref<10240x16xf32, #tpu.memory_space<vmem_shared>> -> memref<10240x16xf32, #tpu.memory_space<vmem_shared>>
        tpu.enqueue_indirect_dma source(%arg18 : memref<80x16xf32, #tpu.memory_space<vmem>>) target(%dma_start3A_55 : memref<10240x16xf32, #tpu.memory_space<vmem_shared>>) offsets(%arg12 : memref<80xi32, #tpu.memory_space<vmem>>) semaphore(%run_scoped3A : memref<!tpu.dma_semaphore, #tpu.memory_space<semaphore_mem>>) {add = true}
        %dma_wait3A_56 = arith.constant 0 : i32
        %dma_wait3A_57 = arith.constant 0 : i32
        %dma_wait3A_58 = tpu.memref_slice %arg10[%dma_wait3A_56, %dma_wait3A_57] : memref<10240x16xf32, #tpu.memory_space<vmem_shared>> -> memref<10240x16xf32, #tpu.memory_space<vmem_shared>>
        tpu.wait_indirect_dma semaphore(%run_scoped3A : memref<!tpu.dma_semaphore, #tpu.memory_space<semaphore_mem>>) src(%arg18 : memref<80x16xf32, #tpu.memory_space<vmem>>) dst(%dma_wait3A_58 : memref<10240x16xf32, #tpu.memory_space<vmem_shared>>)
        tpu.yield
      }) : () -> ()
    }
    %scan3A_29 = arith.constant 125 : i32
    %barrier3A_30 = arith.constant 0 : index
    tpu.barrier barrier_id(%barrier3A_30)
    %mul3A_31 = arith.constant 640 : i32
    %mul3A_32 = arith.muli %arg1, %mul3A_31 : i32
    "tpu.region"() ({
      %run_scoped3A = tpu.sem_alloc : memref<!tpu.dma_semaphore, #tpu.memory_space<semaphore_mem>>
      %dma_start3A = arith.constant 0 : i32
      %dma_start3A_33 = tpu.memref_slice %arg7[%arg0, %mul3A_32, %dma_start3A] : memref<2x10240x128xf32, #tpu.memory_space<hbm>> -> memref<1x640x128xf32, #tpu.memory_space<hbm>>
      %dma_start3A_34 = tpu.memref_squeeze %dma_start3A_33 : memref<1x640x128xf32, #tpu.memory_space<hbm>> -> memref<640x128xf32, #tpu.memory_space<hbm>>
      %dma_start3A_35 = arith.constant 0 : i32
      %dma_start3A_36 = tpu.memref_slice %arg9[%mul3A_32, %dma_start3A_35] : memref<10240x128xf32, #tpu.memory_space<vmem_shared>> -> memref<640x128xf32, #tpu.memory_space<vmem_shared>>
      tpu.enqueue_dma source(%dma_start3A_36 : memref<640x128xf32, #tpu.memory_space<vmem_shared>>) target(%dma_start3A_34 : memref<640x128xf32, #tpu.memory_space<hbm>>) target_semaphore(%run_scoped3A : memref<!tpu.dma_semaphore, #tpu.memory_space<semaphore_mem>>)
      %dma_wait3A = arith.constant 0 : i32
      %dma_wait3A_37 = tpu.memref_slice %arg7[%arg0, %mul3A_32, %dma_wait3A] : memref<2x10240x128xf32, #tpu.memory_space<hbm>> -> memref<1x640x128xf32, #tpu.memory_space<hbm>>
      %dma_wait3A_38 = tpu.memref_squeeze %dma_wait3A_37 : memref<1x640x128xf32, #tpu.memory_space<hbm>> -> memref<640x128xf32, #tpu.memory_space<hbm>>
      %dma_wait3A_39 = arith.constant 0 : i32
      %dma_wait3A_40 = tpu.memref_slice %arg9[%mul3A_32, %dma_wait3A_39] : memref<10240x128xf32, #tpu.memory_space<vmem_shared>> -> memref<640x128xf32, #tpu.memory_space<vmem_shared>>
      tpu.wait_dma2 semaphore(%run_scoped3A : memref<!tpu.dma_semaphore, #tpu.memory_space<semaphore_mem>>) src(%dma_wait3A_40 : memref<640x128xf32, #tpu.memory_space<vmem_shared>>) dst(%dma_wait3A_38 : memref<640x128xf32, #tpu.memory_space<hbm>>)
      tpu.yield
    }) : () -> ()
    "tpu.region"() ({
      %run_scoped3A = tpu.sem_alloc : memref<!tpu.dma_semaphore, #tpu.memory_space<semaphore_mem>>
      %dma_start3A = arith.constant 0 : i32
      %dma_start3A_33 = tpu.memref_slice %arg8[%arg0, %mul3A_32, %dma_start3A] : memref<2x10240x16xf32, #tpu.memory_space<hbm>> -> memref<1x640x16xf32, #tpu.memory_space<hbm>>
      %dma_start3A_34 = tpu.memref_squeeze %dma_start3A_33 : memref<1x640x16xf32, #tpu.memory_space<hbm>> -> memref<640x16xf32, #tpu.memory_space<hbm>>
      %dma_start3A_35 = arith.constant 0 : i32
      %dma_start3A_36 = tpu.memref_slice %arg10[%mul3A_32, %dma_start3A_35] : memref<10240x16xf32, #tpu.memory_space<vmem_shared>> -> memref<640x16xf32, #tpu.memory_space<vmem_shared>>
      tpu.enqueue_dma source(%dma_start3A_36 : memref<640x16xf32, #tpu.memory_space<vmem_shared>>) target(%dma_start3A_34 : memref<640x16xf32, #tpu.memory_space<hbm>>) target_semaphore(%run_scoped3A : memref<!tpu.dma_semaphore, #tpu.memory_space<semaphore_mem>>)
      %dma_wait3A = arith.constant 0 : i32
      %dma_wait3A_37 = tpu.memref_slice %arg8[%arg0, %mul3A_32, %dma_wait3A] : memref<2x10240x16xf32, #tpu.memory_space<hbm>> -> memref<1x640x16xf32, #tpu.memory_space<hbm>>
      %dma_wait3A_38 = tpu.memref_squeeze %dma_wait3A_37 : memref<1x640x16xf32, #tpu.memory_space<hbm>> -> memref<640x16xf32, #tpu.memory_space<hbm>>
      %dma_wait3A_39 = arith.constant 0 : i32
      %dma_wait3A_40 = tpu.memref_slice %arg10[%mul3A_32, %dma_wait3A_39] : memref<10240x16xf32, #tpu.memory_space<vmem_shared>> -> memref<640x16xf32, #tpu.memory_space<vmem_shared>>
      tpu.wait_dma2 semaphore(%run_scoped3A : memref<!tpu.dma_semaphore, #tpu.memory_space<semaphore_mem>>) src(%dma_wait3A_40 : memref<640x16xf32, #tpu.memory_space<vmem_shared>>) dst(%dma_wait3A_38 : memref<640x16xf32, #tpu.memory_space<hbm>>)
      tpu.yield
    }) : () -> ()
    return
  }
}

#map = affine_map<(d0, d1) -> (0, 0)>
#map1 = affine_map<(d0, d1) -> (0)>
#map2 = affine_map<(d0, d1) -> (0, 0, 0)>
module attributes {stable_mosaic.version = 14 : i64} {
  func.func @_agg_body(%arg0: i32, %arg1: i32, %arg2: memref<10240x128xf32, #tpu.memory_space<hbm>>, %arg3: memref<320000xi32, #tpu.memory_space<hbm>>, %arg4: memref<320000xi32, #tpu.memory_space<hbm>>, %arg5: memref<320000xi32, #tpu.memory_space<hbm>>, %arg6: memref<16x128xf32, #tpu.memory_space<hbm>>, %arg7: memref<2x10240x128xf32, #tpu.memory_space<hbm>>, %arg8: memref<2x10240x16xf32, #tpu.memory_space<hbm>>, %arg9: memref<10240x128xf32, #tpu.memory_space<vmem_shared>>, %arg10: memref<10240x16xf32, #tpu.memory_space<vmem_shared>>, %arg11: memref<80xi32, #tpu.memory_space<vmem>>, %arg12: memref<80xi32, #tpu.memory_space<vmem>>, %arg13: memref<80xi32, #tpu.memory_space<vmem>>, %arg14: memref<80x128xf32, #tpu.memory_space<vmem>>, %arg15: memref<80x128xf32, #tpu.memory_space<vmem>>, %arg16: memref<64x128xf32, #tpu.memory_space<vmem>>, %arg17: memref<64x16xf32, #tpu.memory_space<vmem>>, %arg18: memref<80x16xf32, #tpu.memory_space<vmem>>, %arg19: memref<!tpu.dma_semaphore, #tpu.memory_space<semaphore_mem>>, %arg20: memref<!tpu.dma_semaphore, #tpu.memory_space<semaphore_mem>>) attributes {dimension_semantics = [#tpu.dimension_semantics<core_parallel>, #tpu.dimension_semantics<subcore_parallel>], iteration_bounds = array<i64: 2, 16>, scalar_prefetch = 0 : i64, scratch_operands = 12 : i64, tpu.core_type = #tpu.core_type<sc_vector_subcore>, window_params = [{transform_indices = #map}, {transform_indices = #map1}, {transform_indices = #map1}, {transform_indices = #map1}, {transform_indices = #map}, {transform_indices = #map2}, {transform_indices = #map2}]} {
    %mul3A = arith.constant 2 : i32
    %mul3A_0 = arith.muli %arg1, %mul3A : i32
    %add3A = arith.addi %mul3A_0, %arg0 : i32
    %broadcast_in_dim3A = arith.constant 0.000000e+00 : f32
    %broadcast_in_dim3A_1 = vector.broadcast %broadcast_in_dim3A : f32 to vector<16xf32>
    %broadcast_in_dim3A_2 = arith.constant 1.000000e+00 : f32
    %broadcast_in_dim3A_3 = vector.broadcast %broadcast_in_dim3A_2 : f32 to vector<16xf32>
    %scan3A = arith.constant 0 : i32
    %scan3A_4 = arith.constant 512 : i32
    %scan3A_5 = arith.addi %scan3A, %scan3A_4 : i32
    %scan3A_6 = arith.constant 1 : i32
    scf.for %scan3A_33 = %scan3A to %scan3A_5 step %scan3A_6  : i32 {
      %mul3A_34 = arith.constant 1 : i32
      %mul3A_35 = arith.muli %scan3A_33, %mul3A_34 : i32
      %add3A_36 = arith.constant 0 : i32
      %add3A_37 = arith.addi %add3A_36, %mul3A_35 : i32
      %jit3A = arith.constant 8 : i32
      %div3A = arith.divsi %add3A_37, %jit3A : i32
      %sign3A = arith.constant 0 : i32
      %sign3A_38 = arith.cmpi sgt, %add3A_37, %sign3A : i32
      %sign3A_39 = arith.extui %sign3A_38 : i1 to i32
      %sign3A_40 = arith.constant 0 : i32
      %sign3A_41 = arith.cmpi slt, %add3A_37, %sign3A_40 : i32
      %sign3A_42 = arith.extui %sign3A_41 : i1 to i32
      %sign3A_43 = arith.subi %sign3A_39, %sign3A_42 : i32
      %sign3A_44 = arith.constant 0 : i32
      %sign3A_45 = arith.cmpi sgt, %jit3A, %sign3A_44 : i32
      %sign3A_46 = arith.extui %sign3A_45 : i1 to i32
      %sign3A_47 = arith.constant 0 : i32
      %sign3A_48 = arith.cmpi slt, %jit3A, %sign3A_47 : i32
      %sign3A_49 = arith.extui %sign3A_48 : i1 to i32
      %sign3A_50 = arith.subi %sign3A_46, %sign3A_49 : i32
      %ne3A = arith.cmpi ne, %sign3A_43, %sign3A_50 : i32
      %rem3A = arith.remsi %add3A_37, %jit3A : i32
      %ne3A_51 = arith.constant 0 : i32
      %ne3A_52 = arith.cmpi ne, %rem3A, %ne3A_51 : i32
      %and3A = arith.andi %ne3A, %ne3A_52 : i1
      %sub3A = arith.constant 1 : i32
      %sub3A_53 = arith.subi %div3A, %sub3A : i32
      %select_n3A = arith.select %and3A, %sub3A_53, %div3A : i32
      %jit3A_54 = arith.constant 8 : i32
      %eq3A = arith.constant 0 : i32
      %eq3A_55 = arith.cmpi eq, %jit3A_54, %eq3A : i32
      %jit3A_56 = arith.constant 1 : i32
      %select_n3A_57 = arith.select %eq3A_55, %jit3A_56, %jit3A_54 : i32
      %rem3A_58 = arith.remsi %add3A_37, %select_n3A_57 : i32
      %ne3A_59 = arith.constant 0 : i32
      %ne3A_60 = arith.cmpi ne, %rem3A_58, %ne3A_59 : i32
      %lt3A = arith.constant 0 : i32
      %lt3A_61 = arith.cmpi slt, %rem3A_58, %lt3A : i32
      %lt3A_62 = arith.constant 0 : i32
      %lt3A_63 = arith.cmpi slt, %select_n3A_57, %lt3A_62 : i32
      %ne3A_64 = arith.xori %lt3A_61, %lt3A_63 : i1
      %and3A_65 = arith.andi %ne3A_64, %ne3A_60 : i1
      %add3A_66 = arith.addi %rem3A_58, %select_n3A_57 : i32
      %select_n3A_67 = arith.select %and3A_65, %add3A_66, %rem3A_58 : i32
      %mul3A_68 = arith.constant 16 : i32
      %mul3A_69 = arith.muli %select_n3A_67, %mul3A_68 : i32
      %swap3A = arith.index_cast %select_n3A : i32 to index
      %swap3A_70 = arith.index_cast %mul3A_69 : i32 to index
      %swap3A_71 = tpu.vector_load %arg16[%swap3A, %swap3A_70] {strides = array<i32>} : memref<64x128xf32, #tpu.memory_space<vmem>>, vector<1x16xf32>,
      %swap3A_72 = vector.shape_cast %swap3A_71 : vector<1x16xf32> to vector<16xf32>
      %swap3A_73 = vector.shape_cast %broadcast_in_dim3A_1 : vector<16xf32> to vector<1x16xf32>
      tpu.vector_store %arg16[%swap3A, %swap3A_70], %swap3A_73 {strides = array<i32>} : memref<64x128xf32, #tpu.memory_space<vmem>>, vector<1x16xf32>,
    }
    %scan3A_7 = arith.constant 512 : i32
    %scan3A_8 = arith.constant 0 : i32
    %scan3A_9 = arith.constant 64 : i32
    %scan3A_10 = arith.addi %scan3A_8, %scan3A_9 : i32
    %scan3A_11 = arith.constant 1 : i32
    scf.for %scan3A_33 = %scan3A_8 to %scan3A_10 step %scan3A_11  : i32 {
      %mul3A_34 = arith.constant 1 : i32
      %mul3A_35 = arith.muli %scan3A_33, %mul3A_34 : i32
      %add3A_36 = arith.constant 0 : i32
      %add3A_37 = arith.addi %add3A_36, %mul3A_35 : i32
      %swap3A = arith.index_cast %add3A_37 : i32 to index
      %swap3A_38 = arith.constant 0 : index
      %swap3A_39 = tpu.vector_load %arg17[%swap3A, %swap3A_38] {strides = array<i32>} : memref<64x16xf32, #tpu.memory_space<vmem>>, vector<1x16xf32>,
      %swap3A_40 = vector.shape_cast %swap3A_39 : vector<1x16xf32> to vector<16xf32>
      %swap3A_41 = vector.shape_cast %broadcast_in_dim3A_1 : vector<16xf32> to vector<1x16xf32>
      tpu.vector_store %arg17[%swap3A, %swap3A_38], %swap3A_41 {strides = array<i32>} : memref<64x16xf32, #tpu.memory_space<vmem>>, vector<1x16xf32>,
    }
    %scan3A_12 = arith.constant 64 : i32
    %scan3A_13 = arith.constant 0 : i32
    %scan3A_14 = arith.constant 80 : i32
    %scan3A_15 = arith.addi %scan3A_13, %scan3A_14 : i32
    %scan3A_16 = arith.constant 1 : i32
    scf.for %scan3A_33 = %scan3A_13 to %scan3A_15 step %scan3A_16  : i32 {
      %mul3A_34 = arith.constant 1 : i32
      %mul3A_35 = arith.muli %scan3A_33, %mul3A_34 : i32
      %add3A_36 = arith.constant 0 : i32
      %add3A_37 = arith.addi %add3A_36, %mul3A_35 : i32
      %swap3A = arith.index_cast %add3A_37 : i32 to index
      %swap3A_38 = arith.constant 0 : index
      %swap3A_39 = tpu.vector_load %arg18[%swap3A, %swap3A_38] {strides = array<i32>} : memref<80x16xf32, #tpu.memory_space<vmem>>, vector<1x16xf32>,
      %swap3A_40 = vector.shape_cast %swap3A_39 : vector<1x16xf32> to vector<16xf32>
      %swap3A_41 = vector.shape_cast %broadcast_in_dim3A_3 : vector<16xf32> to vector<1x16xf32>
      tpu.vector_store %arg18[%swap3A, %swap3A_38], %swap3A_41 {strides = array<i32>} : memref<80x16xf32, #tpu.memory_space<vmem>>, vector<1x16xf32>,
    }
    %scan3A_17 = arith.constant 80 : i32
    %scan3A_18 = arith.constant 0 : i32
    %scan3A_19 = arith.constant 10 : i32
    %scan3A_20 = arith.addi %scan3A_18, %scan3A_19 : i32
    %scan3A_21 = arith.constant 1 : i32
    scf.for %scan3A_33 = %scan3A_18 to %scan3A_20 step %scan3A_21  : i32 {
      %mul3A_34 = arith.constant 1 : i32
      %mul3A_35 = arith.muli %scan3A_33, %mul3A_34 : i32
      %add3A_36 = arith.constant 0 : i32
      %add3A_37 = arith.addi %add3A_36, %mul3A_35 : i32
      %mul3A_38 = arith.constant 640 : i32
      %mul3A_39 = arith.muli %arg1, %mul3A_38 : i32
      %mul3A_40 = arith.constant 64 : i32
      %mul3A_41 = arith.muli %add3A_37, %mul3A_40 : i32
      %add3A_42 = arith.addi %mul3A_39, %mul3A_41 : i32
      "tpu.region"() ({
        %run_scoped3A = tpu.sem_alloc : memref<!tpu.dma_semaphore, #tpu.memory_space<semaphore_mem>>
        %dma_start3A = arith.constant 0 : i32
        %dma_start3A_48 = tpu.memref_slice %arg9[%add3A_42, %dma_start3A] : memref<10240x128xf32, #tpu.memory_space<vmem_shared>> -> memref<64x128xf32, #tpu.memory_space<vmem_shared>>
        %dma_start3A_49 = arith.constant 0 : i32
        %dma_start3A_50 = tpu.memref_slice %arg9[%add3A_42, %dma_start3A_49] : memref<10240x128xf32, #tpu.memory_space<vmem_shared>> -> memref<64x128xf32, #tpu.memory_space<vmem_shared>>
        tpu.enqueue_dma source(%arg16 : memref<64x128xf32, #tpu.memory_space<vmem>>) target(%dma_start3A_50 : memref<64x128xf32, #tpu.memory_space<vmem_shared>>) target_semaphore(%run_scoped3A : memref<!tpu.dma_semaphore, #tpu.memory_space<semaphore_mem>>)
        %dma_wait3A = arith.constant 0 : i32
        %dma_wait3A_51 = tpu.memref_slice %arg9[%add3A_42, %dma_wait3A] : memref<10240x128xf32, #tpu.memory_space<vmem_shared>> -> memref<64x128xf32, #tpu.memory_space<vmem_shared>>
        %dma_wait3A_52 = arith.constant 0 : i32
        %dma_wait3A_53 = tpu.memref_slice %arg9[%add3A_42, %dma_wait3A_52] : memref<10240x128xf32, #tpu.memory_space<vmem_shared>> -> memref<64x128xf32, #tpu.memory_space<vmem_shared>>
        tpu.wait_dma2 semaphore(%run_scoped3A : memref<!tpu.dma_semaphore, #tpu.memory_space<semaphore_mem>>) src(%arg16 : memref<64x128xf32, #tpu.memory_space<vmem>>) dst(%dma_wait3A_53 : memref<64x128xf32, #tpu.memory_space<vmem_shared>>)
        tpu.yield
      }) : () -> ()
      %mul3A_43 = arith.constant 640 : i32
      %mul3A_44 = arith.muli %arg1, %mul3A_43 : i32
      %mul3A_45 = arith.constant 64 : i32
      %mul3A_46 = arith.muli %add3A_37, %mul3A_45 : i32
      %add3A_47 = arith.addi %mul3A_44, %mul3A_46 : i32
      "tpu.region"() ({
        %run_scoped3A = tpu.sem_alloc : memref<!tpu.dma_semaphore, #tpu.memory_space<semaphore_mem>>
        %dma_start3A = arith.constant 0 : i32
        %dma_start3A_48 = tpu.memref_slice %arg10[%add3A_47, %dma_start3A] : memref<10240x16xf32, #tpu.memory_space<vmem_shared>> -> memref<64x16xf32, #tpu.memory_space<vmem_shared>>
        %dma_start3A_49 = arith.constant 0 : i32
        %dma_start3A_50 = tpu.memref_slice %arg10[%add3A_47, %dma_start3A_49] : memref<10240x16xf32, #tpu.memory_space<vmem_shared>> -> memref<64x16xf32, #tpu.memory_space<vmem_shared>>
        tpu.enqueue_dma source(%arg17 : memref<64x16xf32, #tpu.memory_space<vmem>>) target(%dma_start3A_50 : memref<64x16xf32, #tpu.memory_space<vmem_shared>>) target_semaphore(%run_scoped3A : memref<!tpu.dma_semaphore, #tpu.memory_space<semaphore_mem>>)
        %dma_wait3A = arith.constant 0 : i32
        %dma_wait3A_51 = tpu.memref_slice %arg10[%add3A_47, %dma_wait3A] : memref<10240x16xf32, #tpu.memory_space<vmem_shared>> -> memref<64x16xf32, #tpu.memory_space<vmem_shared>>
        %dma_wait3A_52 = arith.constant 0 : i32
        %dma_wait3A_53 = tpu.memref_slice %arg10[%add3A_47, %dma_wait3A_52] : memref<10240x16xf32, #tpu.memory_space<vmem_shared>> -> memref<64x16xf32, #tpu.memory_space<vmem_shared>>
        tpu.wait_dma2 semaphore(%run_scoped3A : memref<!tpu.dma_semaphore, #tpu.memory_space<semaphore_mem>>) src(%arg17 : memref<64x16xf32, #tpu.memory_space<vmem>>) dst(%dma_wait3A_53 : memref<64x16xf32, #tpu.memory_space<vmem_shared>>)
        tpu.yield
      }) : () -> ()
    }
    %scan3A_22 = arith.constant 10 : i32
    %barrier3A = arith.constant 0 : index
    tpu.barrier barrier_id(%barrier3A)
    %mul3A_23 = arith.constant 10000 : i32
    %mul3A_24 = arith.muli %add3A, %mul3A_23 : i32
    %scan3A_25 = arith.constant 0 : i32
    %scan3A_26 = arith.constant 125 : i32
    %scan3A_27 = arith.addi %scan3A_25, %scan3A_26 : i32
    %scan3A_28 = arith.constant 1 : i32
    scf.for %scan3A_33 = %scan3A_25 to %scan3A_27 step %scan3A_28  : i32 {
      %mul3A_34 = arith.constant 1 : i32
      %mul3A_35 = arith.muli %scan3A_33, %mul3A_34 : i32
      %add3A_36 = arith.constant 0 : i32
      %add3A_37 = arith.addi %add3A_36, %mul3A_35 : i32
      %mul3A_38 = arith.constant 80 : i32
      %mul3A_39 = arith.muli %add3A_37, %mul3A_38 : i32
      %add3A_40 = arith.addi %mul3A_24, %mul3A_39 : i32
      "tpu.region"() ({
        %run_scoped3A = tpu.sem_alloc : memref<!tpu.dma_semaphore, #tpu.memory_space<semaphore_mem>>
        %dma_start3A_53 = tpu.memref_slice %arg3[%add3A_40] : memref<320000xi32, #tpu.memory_space<hbm>> -> memref<80xi32, #tpu.memory_space<hbm>>
        %dma_start3A_54 = tpu.memref_slice %arg3[%add3A_40] : memref<320000xi32, #tpu.memory_space<hbm>> -> memref<80xi32, #tpu.memory_space<hbm>>
        tpu.enqueue_dma source(%dma_start3A_54 : memref<80xi32, #tpu.memory_space<hbm>>) target(%arg11 : memref<80xi32, #tpu.memory_space<vmem>>) target_semaphore(%run_scoped3A : memref<!tpu.dma_semaphore, #tpu.memory_space<semaphore_mem>>)
        %dma_wait3A_55 = tpu.memref_slice %arg3[%add3A_40] : memref<320000xi32, #tpu.memory_space<hbm>> -> memref<80xi32, #tpu.memory_space<hbm>>
        %dma_wait3A_56 = tpu.memref_slice %arg3[%add3A_40] : memref<320000xi32, #tpu.memory_space<hbm>> -> memref<80xi32, #tpu.memory_space<hbm>>
        tpu.wait_dma2 semaphore(%run_scoped3A : memref<!tpu.dma_semaphore, #tpu.memory_space<semaphore_mem>>) src(%dma_wait3A_56 : memref<80xi32, #tpu.memory_space<hbm>>) dst(%arg11 : memref<80xi32, #tpu.memory_space<vmem>>)
        tpu.yield
      }) : () -> ()
      "tpu.region"() ({
        %run_scoped3A = tpu.sem_alloc : memref<!tpu.dma_semaphore, #tpu.memory_space<semaphore_mem>>
        %dma_start3A_53 = tpu.memref_slice %arg4[%add3A_40] : memref<320000xi32, #tpu.memory_space<hbm>> -> memref<80xi32, #tpu.memory_space<hbm>>
        %dma_start3A_54 = tpu.memref_slice %arg4[%add3A_40] : memref<320000xi32, #tpu.memory_space<hbm>> -> memref<80xi32, #tpu.memory_space<hbm>>
        tpu.enqueue_dma source(%dma_start3A_54 : memref<80xi32, #tpu.memory_space<hbm>>) target(%arg12 : memref<80xi32, #tpu.memory_space<vmem>>) target_semaphore(%run_scoped3A : memref<!tpu.dma_semaphore, #tpu.memory_space<semaphore_mem>>)
        %dma_wait3A_55 = tpu.memref_slice %arg4[%add3A_40] : memref<320000xi32, #tpu.memory_space<hbm>> -> memref<80xi32, #tpu.memory_space<hbm>>
        %dma_wait3A_56 = tpu.memref_slice %arg4[%add3A_40] : memref<320000xi32, #tpu.memory_space<hbm>> -> memref<80xi32, #tpu.memory_space<hbm>>
        tpu.wait_dma2 semaphore(%run_scoped3A : memref<!tpu.dma_semaphore, #tpu.memory_space<semaphore_mem>>) src(%dma_wait3A_56 : memref<80xi32, #tpu.memory_space<hbm>>) dst(%arg12 : memref<80xi32, #tpu.memory_space<vmem>>)
        tpu.yield
      }) : () -> ()
      "tpu.region"() ({
        %run_scoped3A = tpu.sem_alloc : memref<!tpu.dma_semaphore, #tpu.memory_space<semaphore_mem>>
        %dma_start3A_53 = tpu.memref_slice %arg5[%add3A_40] : memref<320000xi32, #tpu.memory_space<hbm>> -> memref<80xi32, #tpu.memory_space<hbm>>
        %dma_start3A_54 = tpu.memref_slice %arg5[%add3A_40] : memref<320000xi32, #tpu.memory_space<hbm>> -> memref<80xi32, #tpu.memory_space<hbm>>
        tpu.enqueue_dma source(%dma_start3A_54 : memref<80xi32, #tpu.memory_space<hbm>>) target(%arg13 : memref<80xi32, #tpu.memory_space<vmem>>) target_semaphore(%run_scoped3A : memref<!tpu.dma_semaphore, #tpu.memory_space<semaphore_mem>>)
        %dma_wait3A_55 = tpu.memref_slice %arg5[%add3A_40] : memref<320000xi32, #tpu.memory_space<hbm>> -> memref<80xi32, #tpu.memory_space<hbm>>
        %dma_wait3A_56 = tpu.memref_slice %arg5[%add3A_40] : memref<320000xi32, #tpu.memory_space<hbm>> -> memref<80xi32, #tpu.memory_space<hbm>>
        tpu.wait_dma2 semaphore(%run_scoped3A : memref<!tpu.dma_semaphore, #tpu.memory_space<semaphore_mem>>) src(%dma_wait3A_56 : memref<80xi32, #tpu.memory_space<hbm>>) dst(%arg13 : memref<80xi32, #tpu.memory_space<vmem>>)
        tpu.yield
      }) : () -> ()
      %dma_start3A = arith.constant 0 : i32
      %dma_start3A_41 = arith.constant 0 : i32
      %dma_start3A_42 = tpu.memref_slice %arg2[%dma_start3A, %dma_start3A_41] : memref<10240x128xf32, #tpu.memory_space<hbm>> -> memref<10240x128xf32, #tpu.memory_space<hbm>>
      tpu.enqueue_indirect_dma source(%dma_start3A_42 : memref<10240x128xf32, #tpu.memory_space<hbm>>) target(%arg14 : memref<80x128xf32, #tpu.memory_space<vmem>>) offsets(%arg11 : memref<80xi32, #tpu.memory_space<vmem>>) semaphore(%arg19 : memref<!tpu.dma_semaphore, #tpu.memory_space<semaphore_mem>>)
      %dma_start3A_43 = arith.constant 0 : i32
      %dma_start3A_44 = arith.constant 0 : i32
      %dma_start3A_45 = tpu.memref_slice %arg6[%dma_start3A_43, %dma_start3A_44] : memref<16x128xf32, #tpu.memory_space<hbm>> -> memref<16x128xf32, #tpu.memory_space<hbm>>
      tpu.enqueue_indirect_dma source(%dma_start3A_45 : memref<16x128xf32, #tpu.memory_space<hbm>>) target(%arg15 : memref<80x128xf32, #tpu.memory_space<vmem>>) offsets(%arg13 : memref<80xi32, #tpu.memory_space<vmem>>) semaphore(%arg20 : memref<!tpu.dma_semaphore, #tpu.memory_space<semaphore_mem>>)
      %dma_wait3A = arith.constant 0 : i32
      %dma_wait3A_46 = arith.constant 0 : i32
      %dma_wait3A_47 = tpu.memref_slice %arg2[%dma_wait3A, %dma_wait3A_46] : memref<10240x128xf32, #tpu.memory_space<hbm>> -> memref<10240x128xf32, #tpu.memory_space<hbm>>
      tpu.wait_indirect_dma semaphore(%arg19 : memref<!tpu.dma_semaphore, #tpu.memory_space<semaphore_mem>>) src(%dma_wait3A_47 : memref<10240x128xf32, #tpu.memory_space<hbm>>) dst(%arg14 : memref<80x128xf32, #tpu.memory_space<vmem>>)
      %dma_wait3A_48 = arith.constant 0 : i32
      %dma_wait3A_49 = arith.constant 0 : i32
      %dma_wait3A_50 = tpu.memref_slice %arg6[%dma_wait3A_48, %dma_wait3A_49] : memref<16x128xf32, #tpu.memory_space<hbm>> -> memref<16x128xf32, #tpu.memory_space<hbm>>
      tpu.wait_indirect_dma semaphore(%arg20 : memref<!tpu.dma_semaphore, #tpu.memory_space<semaphore_mem>>) src(%dma_wait3A_50 : memref<16x128xf32, #tpu.memory_space<hbm>>) dst(%arg15 : memref<80x128xf32, #tpu.memory_space<vmem>>)
      %parallel_loop3A = arith.constant 0 : i32
      %parallel_loop3A_51 = arith.constant 640 : i32
      %parallel_loop3A_52 = arith.constant 1 : i32
      scf.for %parallel_loop3A_53 = %parallel_loop3A to %parallel_loop3A_51 step %parallel_loop3A_52  : i32 {
        %parallel_loop3A_54 = arith.constant 8 : i32
        %parallel_loop3A_55 = arith.divsi %parallel_loop3A_53, %parallel_loop3A_54 : i32
        %parallel_loop3A_56 = arith.constant 0 : i32
        %parallel_loop3A_57 = arith.cmpi sgt, %parallel_loop3A_53, %parallel_loop3A_56 : i32
        %parallel_loop3A_58 = arith.extui %parallel_loop3A_57 : i1 to i32
        %parallel_loop3A_59 = arith.constant 0 : i32
        %parallel_loop3A_60 = arith.cmpi slt, %parallel_loop3A_53, %parallel_loop3A_59 : i32
        %parallel_loop3A_61 = arith.extui %parallel_loop3A_60 : i1 to i32
        %parallel_loop3A_62 = arith.subi %parallel_loop3A_58, %parallel_loop3A_61 : i32
        %parallel_loop3A_63 = arith.constant 0 : i32
        %parallel_loop3A_64 = arith.cmpi sgt, %parallel_loop3A_54, %parallel_loop3A_63 : i32
        %parallel_loop3A_65 = arith.extui %parallel_loop3A_64 : i1 to i32
        %parallel_loop3A_66 = arith.constant 0 : i32
        %parallel_loop3A_67 = arith.cmpi slt, %parallel_loop3A_54, %parallel_loop3A_66 : i32
        %parallel_loop3A_68 = arith.extui %parallel_loop3A_67 : i1 to i32
        %parallel_loop3A_69 = arith.subi %parallel_loop3A_65, %parallel_loop3A_68 : i32
        %parallel_loop3A_70 = arith.cmpi ne, %parallel_loop3A_62, %parallel_loop3A_69 : i32
        %parallel_loop3A_71 = arith.remsi %parallel_loop3A_53, %parallel_loop3A_54 : i32
        %parallel_loop3A_72 = arith.constant 0 : i32
        %parallel_loop3A_73 = arith.cmpi ne, %parallel_loop3A_71, %parallel_loop3A_72 : i32
        %parallel_loop3A_74 = arith.andi %parallel_loop3A_70, %parallel_loop3A_73 : i1
        %parallel_loop3A_75 = arith.constant 1 : i32
        %parallel_loop3A_76 = arith.subi %parallel_loop3A_55, %parallel_loop3A_75 : i32
        %parallel_loop3A_77 = arith.select %parallel_loop3A_74, %parallel_loop3A_76, %parallel_loop3A_55 : i32
        %parallel_loop3A_78 = arith.constant 8 : i32
        %parallel_loop3A_79 = arith.constant 0 : i32
        %parallel_loop3A_80 = arith.cmpi eq, %parallel_loop3A_78, %parallel_loop3A_79 : i32
        %parallel_loop3A_81 = arith.constant 1 : i32
        %parallel_loop3A_82 = arith.select %parallel_loop3A_80, %parallel_loop3A_81, %parallel_loop3A_78 : i32
        %parallel_loop3A_83 = arith.remsi %parallel_loop3A_53, %parallel_loop3A_82 : i32
        %parallel_loop3A_84 = arith.constant 0 : i32
        %parallel_loop3A_85 = arith.cmpi ne, %parallel_loop3A_83, %parallel_loop3A_84 : i32
        %parallel_loop3A_86 = arith.constant 0 : i32
        %parallel_loop3A_87 = arith.cmpi slt, %parallel_loop3A_83, %parallel_loop3A_86 : i32
        %parallel_loop3A_88 = arith.constant 0 : i32
        %parallel_loop3A_89 = arith.cmpi slt, %parallel_loop3A_82, %parallel_loop3A_88 : i32
        %parallel_loop3A_90 = arith.xori %parallel_loop3A_87, %parallel_loop3A_89 : i1
        %parallel_loop3A_91 = arith.andi %parallel_loop3A_90, %parallel_loop3A_85 : i1
        %parallel_loop3A_92 = arith.addi %parallel_loop3A_83, %parallel_loop3A_82 : i32
        %parallel_loop3A_93 = arith.select %parallel_loop3A_91, %parallel_loop3A_92, %parallel_loop3A_83 : i32
        %parallel_loop3A_94 = arith.constant 16 : i32
        %parallel_loop3A_95 = arith.muli %parallel_loop3A_93, %parallel_loop3A_94 : i32
        %parallel_loop3A_96 = arith.index_cast %parallel_loop3A_77 : i32 to index
        %parallel_loop3A_97 = arith.index_cast %parallel_loop3A_95 : i32 to index
        %parallel_loop3A_98 = tpu.vector_load %arg14[%parallel_loop3A_96, %parallel_loop3A_97] {strides = array<i32>} : memref<80x128xf32, #tpu.memory_space<vmem>>, vector<1x16xf32>,
        %parallel_loop3A_99 = vector.shape_cast %parallel_loop3A_98 : vector<1x16xf32> to vector<16xf32>
        %parallel_loop3A_100 = arith.index_cast %parallel_loop3A_77 : i32 to index
        %parallel_loop3A_101 = arith.index_cast %parallel_loop3A_95 : i32 to index
        %parallel_loop3A_102 = tpu.vector_load %arg15[%parallel_loop3A_100, %parallel_loop3A_101] {strides = array<i32>} : memref<80x128xf32, #tpu.memory_space<vmem>>, vector<1x16xf32>,
        %parallel_loop3A_103 = vector.shape_cast %parallel_loop3A_102 : vector<1x16xf32> to vector<16xf32>
        %parallel_loop3A_104 = arith.mulf %parallel_loop3A_99, %parallel_loop3A_103 : vector<16xf32>
        %parallel_loop3A_105 = arith.index_cast %parallel_loop3A_77 : i32 to index
        %parallel_loop3A_106 = arith.index_cast %parallel_loop3A_95 : i32 to index
        %parallel_loop3A_107 = tpu.vector_load %arg14[%parallel_loop3A_105, %parallel_loop3A_106] {strides = array<i32>} : memref<80x128xf32, #tpu.memory_space<vmem>>, vector<1x16xf32>,
        %parallel_loop3A_108 = vector.shape_cast %parallel_loop3A_107 : vector<1x16xf32> to vector<16xf32>
        %parallel_loop3A_109 = vector.shape_cast %parallel_loop3A_104 : vector<16xf32> to vector<1x16xf32>
        tpu.vector_store %arg14[%parallel_loop3A_105, %parallel_loop3A_106], %parallel_loop3A_109 {strides = array<i32>} : memref<80x128xf32, #tpu.memory_space<vmem>>, vector<1x16xf32>,
      } {sc.loop_unroll_factor = 8 : i64, sc.parallel_access}
      "tpu.region"() ({
        %run_scoped3A = tpu.sem_alloc : memref<!tpu.dma_semaphore, #tpu.memory_space<semaphore_mem>>
        %dma_start3A_53 = arith.constant 0 : i32
        %dma_start3A_54 = arith.constant 0 : i32
        %dma_start3A_55 = tpu.memref_slice %arg9[%dma_start3A_53, %dma_start3A_54] : memref<10240x128xf32, #tpu.memory_space<vmem_shared>> -> memref<10240x128xf32, #tpu.memory_space<vmem_shared>>
        tpu.enqueue_indirect_dma source(%arg14 : memref<80x128xf32, #tpu.memory_space<vmem>>) target(%dma_start3A_55 : memref<10240x128xf32, #tpu.memory_space<vmem_shared>>) offsets(%arg12 : memref<80xi32, #tpu.memory_space<vmem>>) semaphore(%run_scoped3A : memref<!tpu.dma_semaphore, #tpu.memory_space<semaphore_mem>>) {add = true}
        %dma_wait3A_56 = arith.constant 0 : i32
        %dma_wait3A_57 = arith.constant 0 : i32
        %dma_wait3A_58 = tpu.memref_slice %arg9[%dma_wait3A_56, %dma_wait3A_57] : memref<10240x128xf32, #tpu.memory_space<vmem_shared>> -> memref<10240x128xf32, #tpu.memory_space<vmem_shared>>
        tpu.wait_indirect_dma semaphore(%run_scoped3A : memref<!tpu.dma_semaphore, #tpu.memory_space<semaphore_mem>>) src(%arg14 : memref<80x128xf32, #tpu.memory_space<vmem>>) dst(%dma_wait3A_58 : memref<10240x128xf32, #tpu.memory_space<vmem_shared>>)
        tpu.yield
      }) : () -> ()
      "tpu.region"() ({
        %run_scoped3A = tpu.sem_alloc : memref<!tpu.dma_semaphore, #tpu.memory_space<semaphore_mem>>
        %dma_start3A_53 = arith.constant 0 : i32
        %dma_start3A_54 = arith.constant 0 : i32
        %dma_start3A_55 = tpu.memref_slice %arg10[%dma_start3A_53, %dma_start3A_54] : memref<10240x16xf32, #tpu.memory_space<vmem_shared>> -> memref<10240x16xf32, #tpu.memory_space<vmem_shared>>
        tpu.enqueue_indirect_dma source(%arg18 : memref<80x16xf32, #tpu.memory_space<vmem>>) target(%dma_start3A_55 : memref<10240x16xf32, #tpu.memory_space<vmem_shared>>) offsets(%arg12 : memref<80xi32, #tpu.memory_space<vmem>>) semaphore(%run_scoped3A : memref<!tpu.dma_semaphore, #tpu.memory_space<semaphore_mem>>) {add = true}
        %dma_wait3A_56 = arith.constant 0 : i32
        %dma_wait3A_57 = arith.constant 0 : i32
        %dma_wait3A_58 = tpu.memref_slice %arg10[%dma_wait3A_56, %dma_wait3A_57] : memref<10240x16xf32, #tpu.memory_space<vmem_shared>> -> memref<10240x16xf32, #tpu.memory_space<vmem_shared>>
        tpu.wait_indirect_dma semaphore(%run_scoped3A : memref<!tpu.dma_semaphore, #tpu.memory_space<semaphore_mem>>) src(%arg18 : memref<80x16xf32, #tpu.memory_space<vmem>>) dst(%dma_wait3A_58 : memref<10240x16xf32, #tpu.memory_space<vmem_shared>>)
        tpu.yield
      }) : () -> ()
    }
    %scan3A_29 = arith.constant 125 : i32
    %barrier3A_30 = arith.constant 0 : index
    tpu.barrier barrier_id(%barrier3A_30)
    %mul3A_31 = arith.constant 640 : i32
    %mul3A_32 = arith.muli %arg1, %mul3A_31 : i32
    "tpu.region"() ({
      %run_scoped3A = tpu.sem_alloc : memref<!tpu.dma_semaphore, #tpu.memory_space<semaphore_mem>>
      %dma_start3A = arith.constant 0 : i32
      %dma_start3A_33 = tpu.memref_slice %arg7[%arg0, %mul3A_32, %dma_start3A] : memref<2x10240x128xf32, #tpu.memory_space<hbm>> -> memref<1x640x128xf32, #tpu.memory_space<hbm>>
      %dma_start3A_34 = tpu.memref_squeeze %dma_start3A_33 : memref<1x640x128xf32, #tpu.memory_space<hbm>> -> memref<640x128xf32, #tpu.memory_space<hbm>>
      %dma_start3A_35 = arith.constant 0 : i32
      %dma_start3A_36 = tpu.memref_slice %arg9[%mul3A_32, %dma_start3A_35] : memref<10240x128xf32, #tpu.memory_space<vmem_shared>> -> memref<640x128xf32, #tpu.memory_space<vmem_shared>>
      tpu.enqueue_dma source(%dma_start3A_36 : memref<640x128xf32, #tpu.memory_space<vmem_shared>>) target(%dma_start3A_34 : memref<640x128xf32, #tpu.memory_space<hbm>>) target_semaphore(%run_scoped3A : memref<!tpu.dma_semaphore, #tpu.memory_space<semaphore_mem>>)
      %dma_wait3A = arith.constant 0 : i32
      %dma_wait3A_37 = tpu.memref_slice %arg7[%arg0, %mul3A_32, %dma_wait3A] : memref<2x10240x128xf32, #tpu.memory_space<hbm>> -> memref<1x640x128xf32, #tpu.memory_space<hbm>>
      %dma_wait3A_38 = tpu.memref_squeeze %dma_wait3A_37 : memref<1x640x128xf32, #tpu.memory_space<hbm>> -> memref<640x128xf32, #tpu.memory_space<hbm>>
      %dma_wait3A_39 = arith.constant 0 : i32
      %dma_wait3A_40 = tpu.memref_slice %arg9[%mul3A_32, %dma_wait3A_39] : memref<10240x128xf32, #tpu.memory_space<vmem_shared>> -> memref<640x128xf32, #tpu.memory_space<vmem_shared>>
      tpu.wait_dma2 semaphore(%run_scoped3A : memref<!tpu.dma_semaphore, #tpu.memory_space<semaphore_mem>>) src(%dma_wait3A_40 : memref<640x128xf32, #tpu.memory_space<vmem_shared>>) dst(%dma_wait3A_38 : memref<640x128xf32, #tpu.memory_space<hbm>>)
      tpu.yield
    }) : () -> ()
    "tpu.region"() ({
      %run_scoped3A = tpu.sem_alloc : memref<!tpu.dma_semaphore, #tpu.memory_space<semaphore_mem>>
      %dma_start3A = arith.constant 0 : i32
      %dma_start3A_33 = tpu.memref_slice %arg8[%arg0, %mul3A_32, %dma_start3A] : memref<2x10240x16xf32, #tpu.memory_space<hbm>> -> memref<1x640x16xf32, #tpu.memory_space<hbm>>
      %dma_start3A_34 = tpu.memref_squeeze %dma_start3A_33 : memref<1x640x16xf32, #tpu.memory_space<hbm>> -> memref<640x16xf32, #tpu.memory_space<hbm>>
      %dma_start3A_35 = arith.constant 0 : i32
      %dma_start3A_36 = tpu.memref_slice %arg10[%mul3A_32, %dma_start3A_35] : memref<10240x16xf32, #tpu.memory_space<vmem_shared>> -> memref<640x16xf32, #tpu.memory_space<vmem_shared>>
      tpu.enqueue_dma source(%dma_start3A_36 : memref<640x16xf32, #tpu.memory_space<vmem_shared>>) target(%dma_start3A_34 : memref<640x16xf32, #tpu.memory_space<hbm>>) target_semaphore(%run_scoped3A : memref<!tpu.dma_semaphore, #tpu.memory_space<semaphore_mem>>)
      %dma_wait3A = arith.constant 0 : i32
      %dma_wait3A_37 = tpu.memref_slice %arg8[%arg0, %mul3A_32, %dma_wait3A] : memref<2x10240x16xf32, #tpu.memory_space<hbm>> -> memref<1x640x16xf32, #tpu.memory_space<hbm>>
      %dma_wait3A_38 = tpu.memref_squeeze %dma_wait3A_37 : memref<1x640x16xf32, #tpu.memory_space<hbm>> -> memref<640x16xf32, #tpu.memory_space<hbm>>
      %dma_wait3A_39 = arith.constant 0 : i32
      %dma_wait3A_40 = tpu.memref_slice %arg10[%mul3A_32, %dma_wait3A_39] : memref<10240x16xf32, #tpu.memory_space<vmem_shared>> -> memref<640x16xf32, #tpu.memory_space<vmem_shared>>
      tpu.wait_dma2 semaphore(%run_scoped3A : memref<!tpu.dma_semaphore, #tpu.memory_space<semaphore_mem>>) src(%dma_wait3A_40 : memref<640x16xf32, #tpu.memory_space<vmem_shared>>) dst(%dma_wait3A_38 : memref<640x16xf32, #tpu.memory_space<hbm>>)
      tpu.yield
    }) : () -> ()
    return
  }
}

module attributes {stable_mosaic.version = 14 : i64} {
  func.func @_norm_body(%arg0: i32, %arg1: memref<2x1024x128xf32, #tpu.memory_space<vmem>>, %arg2: memref<2x1024x16xf32, #tpu.memory_space<vmem>>, %arg3: memref<1024x128xf32, #tpu.memory_space<vmem>>, %arg4: memref<1024x128xf32, #tpu.memory_space<vmem>>, %arg5: memref<1024x128xf32, #tpu.memory_space<vmem>>) attributes {dimension_semantics = [#tpu.dimension_semantics<arbitrary>], iteration_bounds = array<i64: 10>, scalar_prefetch = 0 : i64, scratch_operands = 0 : i64, tpu.core_type = #tpu.core_type<tc>, window_params = [{transform_indices = @transform_0, window_bounds = array<i64: 2, 1024, 128>}, {transform_indices = @transform_1, window_bounds = array<i64: 2, 1024, 16>}, {transform_indices = @transform_2, window_bounds = array<i64: 1024, 128>}, {transform_indices = @transform_3, window_bounds = array<i64: 1024, 128>}, {transform_indices = @transform_4, window_bounds = array<i64: 1024, 128>}]} {
    %get3A = arith.constant 0 : index
    %get3A_0 = arith.constant 0 : index
    %get3A_1 = arith.constant 0 : index
    %get3A_2 = vector.load %arg1[%get3A, %get3A_0, %get3A_1] : memref<2x1024x128xf32, #tpu.memory_space<vmem>>, vector<1x1024x128xf32>
    %get3A_3 = vector.shape_cast %get3A_2 : vector<1x1024x128xf32> to vector<1024x128xf32>
    %get3A_4 = arith.constant 1 : index
    %get3A_5 = arith.constant 0 : index
    %get3A_6 = arith.constant 0 : index
    %get3A_7 = vector.load %arg1[%get3A_4, %get3A_5, %get3A_6] : memref<2x1024x128xf32, #tpu.memory_space<vmem>>, vector<1x1024x128xf32>
    %get3A_8 = vector.shape_cast %get3A_7 : vector<1x1024x128xf32> to vector<1024x128xf32>
    %add3A = arith.addf %get3A_3, %get3A_8 : vector<1024x128xf32>
    %get3A_9 = arith.constant 0 : index
    %get3A_10 = arith.constant 0 : index
    %get3A_11 = arith.constant 0 : index
    %get3A_12 = vector.load %arg2[%get3A_9, %get3A_10, %get3A_11] : memref<2x1024x16xf32, #tpu.memory_space<vmem>>, vector<1x1024x1xf32>
    %get3A_13 = vector.shape_cast %get3A_12 : vector<1x1024x1xf32> to vector<1024x1xf32>
    %get3A_14 = arith.constant 1 : index
    %get3A_15 = arith.constant 0 : index
    %get3A_16 = arith.constant 0 : index
    %get3A_17 = vector.load %arg2[%get3A_14, %get3A_15, %get3A_16] : memref<2x1024x16xf32, #tpu.memory_space<vmem>>, vector<1x1024x1xf32>
    %get3A_18 = vector.shape_cast %get3A_17 : vector<1x1024x1xf32> to vector<1024x1xf32>
    %add3A_19 = arith.addf %get3A_13, %get3A_18 : vector<1024x1xf32>
    %max3A = arith.constant 1.000000e+00 : f32
    %max3A_20 = vector.broadcast %max3A : f32 to vector<1024x1xf32>
    %max3A_21 = arith.maximumf %add3A_19, %max3A_20 : vector<1024x1xf32>
    %div3A = vector.broadcast %max3A_21 : vector<1024x1xf32> to vector<1024x128xf32>
    %div3A_22 = arith.divf %add3A, %div3A : vector<1024x128xf32>
    %mul3A = arith.mulf %div3A_22, %div3A_22 : vector<1024x128xf32>
    %reduce_sum3A = arith.constant dense<0.000000e+00> : vector<1024xf32>
    %reduce_sum3A_23 = vector.multi_reduction <add>, %mul3A, %reduce_sum3A [1] : vector<1024x128xf32> to vector<1024xf32>
    %broadcast_in_dim3A = vector.shape_cast %reduce_sum3A_23 : vector<1024xf32> to vector<1024x1xf32>
    %sqrt3A = math.sqrt %broadcast_in_dim3A : vector<1024x1xf32>
    %max3A_24 = arith.constant 9.99999996E-13 : f32
    %max3A_25 = vector.broadcast %max3A_24 : f32 to vector<1024x1xf32>
    %max3A_26 = arith.maximumf %sqrt3A, %max3A_25 : vector<1024x1xf32>
    %div3A_27 = vector.broadcast %max3A_26 : vector<1024x1xf32> to vector<1024x128xf32>
    %div3A_28 = arith.divf %div3A_22, %div3A_27 : vector<1024x128xf32>
    %swap3A = arith.constant 0 : index
    %swap3A_29 = arith.constant 0 : index
    %swap3A_30 = vector.load %arg4[%swap3A, %swap3A_29] : memref<1024x128xf32, #tpu.memory_space<vmem>>, vector<1024x128xf32>
    tpu.vector_store %arg4[%swap3A, %swap3A_29], %div3A_28 {strides = array<i32>} : memref<1024x128xf32, #tpu.memory_space<vmem>>, vector<1024x128xf32>,
    %get3A_31 = arith.constant 0 : index
    %get3A_32 = arith.constant 0 : index
    %get3A_33 = vector.load %arg3[%get3A_31, %get3A_32] : memref<1024x128xf32, #tpu.memory_space<vmem>>, vector<1024x128xf32>
    %add3A_34 = arith.addf %get3A_33, %div3A_28 : vector<1024x128xf32>
    %swap3A_35 = arith.constant 0 : index
    %swap3A_36 = arith.constant 0 : index
    %swap3A_37 = vector.load %arg5[%swap3A_35, %swap3A_36] : memref<1024x128xf32, #tpu.memory_space<vmem>>, vector<1024x128xf32>
    tpu.vector_store %arg5[%swap3A_35, %swap3A_36], %add3A_34 {strides = array<i32>} : memref<1024x128xf32, #tpu.memory_space<vmem>>, vector<1024x128xf32>,
    return
  }
  func.func @transform_0(%arg0: i32) -> (i32, i32, i32) {
    %c0_i32 = arith.constant 0 : i32
    %c0_i32_0 = arith.constant 0 : i32
    %c0_i32_1 = arith.constant 0 : i32
    return %c0_i32, %arg0, %c0_i32_0 : i32, i32, i32
  }
  func.func @transform_1(%arg0: i32) -> (i32, i32, i32) {
    %c0_i32 = arith.constant 0 : i32
    %c0_i32_0 = arith.constant 0 : i32
    %c0_i32_1 = arith.constant 0 : i32
    return %c0_i32, %arg0, %c0_i32_0 : i32, i32, i32
  }
  func.func @transform_2(%arg0: i32) -> (i32, i32) {
    %c0_i32 = arith.constant 0 : i32
    %c0_i32_0 = arith.constant 0 : i32
    return %arg0, %c0_i32 : i32, i32
  }
  func.func @transform_3(%arg0: i32) -> (i32, i32) {
    %c0_i32 = arith.constant 0 : i32
    %c0_i32_0 = arith.constant 0 : i32
    return %arg0, %c0_i32 : i32, i32
  }
  func.func @transform_4(%arg0: i32) -> (i32, i32) {
    %c0_i32 = arith.constant 0 : i32
    %c0_i32_0 = arith.constant 0 : i32
    return %arg0, %c0_i32 : i32, i32
  }
}

module attributes {stable_mosaic.version = 14 : i64} {
  func.func @_norm_body(%arg0: i32, %arg1: memref<2x1024x128xf32, #tpu.memory_space<vmem>>, %arg2: memref<2x1024x16xf32, #tpu.memory_space<vmem>>, %arg3: memref<1024x128xf32, #tpu.memory_space<vmem>>, %arg4: memref<1024x128xf32, #tpu.memory_space<vmem>>, %arg5: memref<1024x128xf32, #tpu.memory_space<vmem>>) attributes {dimension_semantics = [#tpu.dimension_semantics<arbitrary>], iteration_bounds = array<i64: 10>, scalar_prefetch = 0 : i64, scratch_operands = 0 : i64, tpu.core_type = #tpu.core_type<tc>, window_params = [{transform_indices = @transform_0, window_bounds = array<i64: 2, 1024, 128>}, {transform_indices = @transform_1, window_bounds = array<i64: 2, 1024, 16>}, {transform_indices = @transform_2, window_bounds = array<i64: 1024, 128>}, {transform_indices = @transform_3, window_bounds = array<i64: 1024, 128>}, {transform_indices = @transform_4, window_bounds = array<i64: 1024, 128>}]} {
    %get3A = arith.constant 0 : index
    %get3A_0 = arith.constant 0 : index
    %get3A_1 = arith.constant 0 : index
    %get3A_2 = vector.load %arg1[%get3A, %get3A_0, %get3A_1] : memref<2x1024x128xf32, #tpu.memory_space<vmem>>, vector<1x1024x128xf32>
    %get3A_3 = vector.shape_cast %get3A_2 : vector<1x1024x128xf32> to vector<1024x128xf32>
    %get3A_4 = arith.constant 1 : index
    %get3A_5 = arith.constant 0 : index
    %get3A_6 = arith.constant 0 : index
    %get3A_7 = vector.load %arg1[%get3A_4, %get3A_5, %get3A_6] : memref<2x1024x128xf32, #tpu.memory_space<vmem>>, vector<1x1024x128xf32>
    %get3A_8 = vector.shape_cast %get3A_7 : vector<1x1024x128xf32> to vector<1024x128xf32>
    %add3A = arith.addf %get3A_3, %get3A_8 : vector<1024x128xf32>
    %get3A_9 = arith.constant 0 : index
    %get3A_10 = arith.constant 0 : index
    %get3A_11 = arith.constant 0 : index
    %get3A_12 = vector.load %arg2[%get3A_9, %get3A_10, %get3A_11] : memref<2x1024x16xf32, #tpu.memory_space<vmem>>, vector<1x1024x1xf32>
    %get3A_13 = vector.shape_cast %get3A_12 : vector<1x1024x1xf32> to vector<1024x1xf32>
    %get3A_14 = arith.constant 1 : index
    %get3A_15 = arith.constant 0 : index
    %get3A_16 = arith.constant 0 : index
    %get3A_17 = vector.load %arg2[%get3A_14, %get3A_15, %get3A_16] : memref<2x1024x16xf32, #tpu.memory_space<vmem>>, vector<1x1024x1xf32>
    %get3A_18 = vector.shape_cast %get3A_17 : vector<1x1024x1xf32> to vector<1024x1xf32>
    %add3A_19 = arith.addf %get3A_13, %get3A_18 : vector<1024x1xf32>
    %max3A = arith.constant 1.000000e+00 : f32
    %max3A_20 = vector.broadcast %max3A : f32 to vector<1024x1xf32>
    %max3A_21 = arith.maximumf %add3A_19, %max3A_20 : vector<1024x1xf32>
    %div3A = vector.broadcast %max3A_21 : vector<1024x1xf32> to vector<1024x128xf32>
    %div3A_22 = arith.divf %add3A, %div3A : vector<1024x128xf32>
    %mul3A = arith.mulf %div3A_22, %div3A_22 : vector<1024x128xf32>
    %reduce_sum3A = arith.constant dense<0.000000e+00> : vector<1024xf32>
    %reduce_sum3A_23 = vector.multi_reduction <add>, %mul3A, %reduce_sum3A [1] : vector<1024x128xf32> to vector<1024xf32>
    %broadcast_in_dim3A = vector.shape_cast %reduce_sum3A_23 : vector<1024xf32> to vector<1024x1xf32>
    %sqrt3A = math.sqrt %broadcast_in_dim3A : vector<1024x1xf32>
    %max3A_24 = arith.constant 9.99999996E-13 : f32
    %max3A_25 = vector.broadcast %max3A_24 : f32 to vector<1024x1xf32>
    %max3A_26 = arith.maximumf %sqrt3A, %max3A_25 : vector<1024x1xf32>
    %div3A_27 = vector.broadcast %max3A_26 : vector<1024x1xf32> to vector<1024x128xf32>
    %div3A_28 = arith.divf %div3A_22, %div3A_27 : vector<1024x128xf32>
    %swap3A = arith.constant 0 : index
    %swap3A_29 = arith.constant 0 : index
    %swap3A_30 = vector.load %arg4[%swap3A, %swap3A_29] : memref<1024x128xf32, #tpu.memory_space<vmem>>, vector<1024x128xf32>
    tpu.vector_store %arg4[%swap3A, %swap3A_29], %div3A_28 {strides = array<i32>} : memref<1024x128xf32, #tpu.memory_space<vmem>>, vector<1024x128xf32>,
    %get3A_31 = arith.constant 0 : index
    %get3A_32 = arith.constant 0 : index
    %get3A_33 = vector.load %arg3[%get3A_31, %get3A_32] : memref<1024x128xf32, #tpu.memory_space<vmem>>, vector<1024x128xf32>
    %add3A_34 = arith.addf %get3A_33, %div3A_28 : vector<1024x128xf32>
    %swap3A_35 = arith.constant 0 : index
    %swap3A_36 = arith.constant 0 : index
    %swap3A_37 = vector.load %arg5[%swap3A_35, %swap3A_36] : memref<1024x128xf32, #tpu.memory_space<vmem>>, vector<1024x128xf32>
    tpu.vector_store %arg5[%swap3A_35, %swap3A_36], %add3A_34 {strides = array<i32>} : memref<1024x128xf32, #tpu.memory_space<vmem>>, vector<1024x128xf32>,
    return
  }
  func.func @transform_0(%arg0: i32) -> (i32, i32, i32) {
    %c0_i32 = arith.constant 0 : i32
    %c0_i32_0 = arith.constant 0 : i32
    %c0_i32_1 = arith.constant 0 : i32
    return %c0_i32, %arg0, %c0_i32_0 : i32, i32, i32
  }
  func.func @transform_1(%arg0: i32) -> (i32, i32, i32) {
    %c0_i32 = arith.constant 0 : i32
    %c0_i32_0 = arith.constant 0 : i32
    %c0_i32_1 = arith.constant 0 : i32
    return %c0_i32, %arg0, %c0_i32_0 : i32, i32, i32
  }
  func.func @transform_2(%arg0: i32) -> (i32, i32) {
    %c0_i32 = arith.constant 0 : i32
    %c0_i32_0 = arith.constant 0 : i32
    return %arg0, %c0_i32 : i32, i32
  }
  func.func @transform_3(%arg0: i32) -> (i32, i32) {
    %c0_i32 = arith.constant 0 : i32
    %c0_i32_0 = arith.constant 0 : i32
    return %arg0, %c0_i32 : i32, i32
  }
  func.func @transform_4(%arg0: i32) -> (i32, i32) {
    %c0_i32 = arith.constant 0 : i32
    %c0_i32_0 = arith.constant 0 : i32
    return %arg0, %c0_i32 : i32, i32
  }
}

</mosaic_0001>

<sc_bundles>
// kernel: kernel.6.cloned.1.call-start
scs
__scs_entry_jumppad:
0x0: {  	(pc) =	sbr.rel $0x88, $3  }
0x1: {  	(tag) =	ssettag $0x0;
	lr =	simm.s32 $0x1  }
0x2: {  	[smem:$0x3F9D] =	sst lr;
	_ =	strace $0xD0000000  }
0x3: {  	_ = 	snop  }
0x4: {  	_ = 	snop  }
0x5: {  	_ = 	snop  }
0x6: {  	_ = 	snop  }
0x7: {  	_ = 	snop  }
__scs_overlays_trampoline_lowered:
0x8: {  	[smem:$0x3FAC] =	sst s0  }
0x9: {  	[smem:$0x3FAD] =	sst s1  }
0xa: {  	[smem:$0x3FAE] =	sst s2  }
0xb: {  	[smem:$0x3FAF] =	sst s3  }
0xc: {  	[smem:$0x3FB0] =	sst s4  }
0xd: {  	[smem:$0x3FB1] =	sst s5  }
0xe: {  	[smem:$0x3FB2] =	sst s6  }
0xf: {  	[smem:$0x3FB3] =	sst s7  }
0x10: {  	[smem:$0x3FB4] =	sst s8  }
0x11: {  	[smem:$0x3FB5] =	sst s9;
	s0 =	simm.s32 @!p0 $0x0  }
0x12: {  	s1 =	sld [smem:$0x3F9B];
	s0 =	simm.s32 @p0 $0x1  }
0x13: {  	[smem:$0x3FB6] =	sst s0;
	s0 =	simm.s32 @!p1 $0x0  }
0x14: {  	s2 =	sld [smem:$0x3F9A];
	s0 =	simm.s32 @p1 $0x1  }
0x15: {  	[smem:$0x3FB7] =	sst s0;
	s0 =	simm.s32 @!p2 $0x0  }
0x16: {  	s3 =	sld [smem:$0x3FDB];
	s0 =	simm.s32 @p2 $0x1  }
0x17: {  	s4 =	simm.s32 $0x1BF5;
	[smem:$0x3FB9] =	sst s0  }
0x18: {  	s0 =	sld [smem:$0x3F9C];
	_ =	swait.ge [sflag:s4], $0x0  }
0x19: {  	s7 =	sld [smem:$0x3F9D]  }
0x1a: {  	s8 =	sadd.s32 $0xFFFFE003, lr  }
0x1b: {  	s9 =	sadd.s32 $0xFFFFFEF7, lr;
	s5 =	simm.s32 $0xFFFFFFFF;
	p2 =	slt.u32 s8, $0xFFFFF086  }
0x1c: {  	p1 =	slt.u32 s9, $0xF7A;
	s5 =	simm.s32 @!p2 $0x0  }
0x1d: {  	s5 =	simm.s32 @p1 $0x1;
	p0 =	seq.s32 s7, s2  }
0x1e: {  	s7 =	smul.u32 @!p0 $0xF7A, s2;
	p2 =	seq.s32 @!p0 s5, $0x0  }
0x1f: {  	s9 =	smul.u32 $0xF7A, s1;
	s8 =	simm.s32 @!p0 $0x1BF5;
	p2 =	por !p2, p0  }
0x20: {  	[sflag:s8] =	ssyncset.s32 @!p0 $0xFFFFF086;
	s6 =	sadd.s32 @!p0 s3, s7;
	s7 =	simm.s32 @!p0 $0x108  }
0x21: {  	s3 =	sadd.s32 s3, s9;
	s6 =	sadd.s32 @!p0 $0x88, s6;
	s7 =	simm.s32 @p2 $0x1082  }
0x22: {  	[simem:s7], [sflag:s8] =	dma.local @!p0 [hbm:s6], $0xF7A  }
0x23: {  	s9 =	sor.u32 $0xD0000000, s2;
	s6 =	simm.s32 $0x108;
	_ =	swait.ge @!p0 [sflag:s8], $0x0  }
0x24: {  	s3 =	sadd.s32 $0x88, s3;
	s6 =	simm.s32 @!p1 $0x1082;
	[sflag:s4] =	ssyncset.s32 $0xFFFFF086  }
0x25: {  	[simem:s6], [sflag:s4] =	dma.local [hbm:s3], $0xF7A  }
0x26: {  	[smem:$0x3F9D] =	sst s1;
	(tag) =	ssettag s2;
	_ =	strace s9  }
0x27: {  	s1 =	sld [smem:$0x3FAD]  }
0x28: {  	s2 =	sld [smem:$0x3FAE]  }
0x29: {  	s4 =	sld [smem:$0x3FB0]  }
0x2a: {  	p0 =	seq.s32 s5, $0x0;
	s5 =	sld [smem:$0x3FB1]  }
0x2b: {  	s6 =	sld [smem:$0x3FB2]  }
0x2c: {  	s7 =	sld [smem:$0x3FB3]  }
0x2d: {  	s3 =	simm.s32 $0x108;
	s8 =	sld [smem:$0x3FB4]  }
0x2e: {  	s3 =	simm.s32 @!p0 $0x1082;
	s9 =	sld [smem:$0x3FB5]  }
0x2f: {  	lr =	sadd.s32 s0, s3;
	s0 =	sld [smem:$0x3FAC]  }
0x30: {  	s3 =	sld [smem:$0x3FAF]  }
0x31: {  	[smem:$0x3FB8] =	sst s10  }
0x32: {  	s10 =	sld [smem:$0x3FB6];
	_ =	sdelay $0x3  }
0x33: {  	p0 =	seq.s32 s10, $0x1;
	s10 =	sld [smem:$0x3FB8];
	_ =	sdelay $0x3  }
0x34: {  	[smem:$0x3FB8] =	sst s10  }
0x35: {  	s10 =	sld [smem:$0x3FB7];
	_ =	sdelay $0x3  }
0x36: {  	p1 =	seq.s32 s10, $0x1;
	s10 =	sld [smem:$0x3FB8];
	_ =	sdelay $0x3  }
0x37: {  	[smem:$0x3FB8] =	sst s10  }
0x38: {  	s10 =	sld [smem:$0x3FB9]  }
0x39: {  	_ = 	snop;
	(pc) =	sbr.ind lr, $3  }
0x3a: {  	_ = 	snop  }
0x3b: {  	_ = 	snop  }
0x3c: {  	p2 =	seq.s32 s10, $0x1;
	s10 =	sld [smem:$0x3FB8]  }
0x3d: {  	_ =	shalt  }
0x3e: {  	_ =	shalt  }
0x3f: {  	_ =	shalt  }
0x40: {  	_ =	shalt  }
0x41: {  	_ =	shalt  }
0x42: {  	_ =	shalt  }
0x43: {  	_ =	shalt  }
0x44: {  	_ =	shalt  }
0x45: {  	_ =	shalt  }
0x46: {  	_ =	shalt  }
0x47: {  	_ =	shalt  }
0x48: {  	_ =	shalt  }
0x49: {  	_ =	shalt  }
0x4a: {  	_ =	shalt  }
0x4b: {  	_ =	shalt  }
0x4c: {  	_ =	shalt  }
0x4d: {  	_ =	shalt  }
0x4e: {  	_ =	shalt  }
0x4f: {  	_ =	shalt  }
0x50: {  	_ =	shalt  }
0x51: {  	_ =	shalt  }
0x52: {  	_ =	shalt  }
0x53: {  	_ =	shalt  }
0x54: {  	_ =	shalt  }
0x55: {  	_ =	shalt  }
0x56: {  	_ =	shalt  }
0x57: {  	_ =	shalt  }
0x58: {  	_ =	shalt  }
0x59: {  	_ =	shalt  }
0x5a: {  	_ =	shalt  }
0x5b: {  	_ =	shalt  }
0x5c: {  	_ =	shalt  }
0x5d: {  	_ =	shalt  }
0x5e: {  	_ =	shalt  }
0x5f: {  	_ =	shalt  }
0x60: {  	_ =	shalt  }
0x61: {  	_ =	shalt  }
0x62: {  	_ =	shalt  }
0x63: {  	_ =	shalt  }
0x64: {  	_ =	shalt  }
0x65: {  	_ =	shalt  }
0x66: {  	_ =	shalt  }
0x67: {  	_ =	shalt  }
0x68: {  	_ =	shalt  }
0x69: {  	_ =	shalt  }
0x6a: {  	_ =	shalt  }
0x6b: {  	_ =	shalt  }
0x6c: {  	_ =	shalt  }
0x6d: {  	_ =	shalt  }
0x6e: {  	_ =	shalt  }
0x6f: {  	_ =	shalt  }
0x70: {  	_ =	shalt  }
0x71: {  	_ =	shalt  }
0x72: {  	_ =	shalt  }
0x73: {  	_ =	shalt  }
0x74: {  	_ =	shalt  }
0x75: {  	_ =	shalt  }
0x76: {  	_ =	shalt  }
0x77: {  	_ =	shalt  }
0x78: {  	_ =	shalt  }
0x79: {  	_ =	shalt  }
0x7a: {  	_ =	shalt  }
0x7b: {  	_ =	shalt  }
0x7c: {  	_ =	shalt  }
0x7d: {  	_ =	shalt  }
0x7e: {  	_ =	shalt  }
0x7f: {  	_ =	shalt  }
0x80: {  	_ =	shalt  }
0x81: {  	_ =	shalt  }
0x82: {  	_ =	shalt  }
0x83: {  	_ =	shalt  }
0x84: {  	_ =	shalt  }
0x85: {  	_ =	shalt  }
0x86: {  	_ =	shalt  }
0x87: {  	_ =	shalt  }
.Lfunc_end0:
.L_simem_size_0:
called_computation_lowered:
.L_overlay_start_0:
0x88: {  	s2 =	sld [smem:$0x3FD9]  }
0x89: {  	s3 =	sld [smem:$0x3FFE];
	_ =	sdelay $0x1  }
0x8a: {  	s1 =	srdreg.scid  }
0x8b: {  	s0 =	sand.u32 $0x1, s1  }
0x8c: {  	s17 =	sshll.u32 s0, $0xA;
	s2 =	sadd.s32 s3, s2  }
0x8d: {  	s2 =	sadd.s32 s2, s17  }
0x8e: {  	[smem:$0x3FC4] =	sst s2  }
0x8f: {  	_ = 	snop  }
0x90: {  	s2 =	sld [smem:$0x3FC7]  }
0x91: {  	s18 =	sld [smem:$0x3FC6]  }
0x92: {  	s4 =	sld [smem:$0x3FD0];
	(tm) =	ssettm $0x1  }
0x93: {  	s5 =	sld [smem:$0x3FFB];
	_ =	sdelay $0x3  }
0x94: {  	_ =	strace s5  }
0x95: {  	s5 =	sld [smem:$0x3FFC];
	_ =	sdelay $0x3  }
0x96: {  	_ =	strace s5  }
0x97: {  	s5 =	sld [smem:$0x3FFD];
	_ =	sdelay $0x3  }
0x98: {  	_ =	strace s5  }
0x99: {  	_ =	strace $0x8FFFFFFF  }
0x9a: {  	s19 =	sld [smem:$0x3FDB];
	_ =	sdelay $0x1  }
0x9b: {  	s6 =	simm.s32 $_scs_section_size  }
0x9c: {  	s7 =	simm.s32 $_size__tile_overlayer_lowered;
	s8 =	simm.s32 $_tile_overlayer_lowered  }
0x9d: {  	s22 =	simm.s32 $0x1BFF;
	s21 =	sshll.u32 s8, $0x1;
	s5 =	sadd.s32 s6, s19  }
0x9e: {  	s9 =	simm.s32 $0x0;
	s20 =	sshll.u32 s7, $0x1;
	s7 =	sadd.s32 s21, s5  }
0x9f: {  	[timem:s9], [sflag:s22] =	dma.local [hbm:s7], s20  }
0xa0: {  	_ =	swait.ge [sflag:s22], s20  }
0xa1: {  	s6 =	ssub.s32 $0x0, s20;
	[sflag:s22] =	ssyncset.done $0x0  }
0xa2: {  	[sflag:s22] =	ssyncadd.s32 s6;
	_ =	sdelay $0x1  }
0xa3: {  	s23 =	simm.s32 $0x1B8B  }
0xa4: {  	_ =	swait.ge [sflag:s23], $0x1  }
0xa5: {  	[sflag:s23] =	ssyncset.done $0x0  }
0xa6: {  	s25 =	simm.s32 $0x1B8E;
	s24 =	sld [smem:$0x3FFE];
	[sflag:s23] =	ssyncadd.s32 $0xFFFFFFFF  }
0xa7: {  	s26 =	simm.s32 $execute0_lowered;
	[smem:$0x3FD2] =	sst s25  }
0xa8: {  	s7 =	sshll.u32 s26, $0x1;
	_ =	strace $0x80000046;
	[dreg:$0x1] =	wrdreg $0xFFFFFFFF  }
0xa9: {  	s28 =	simm.s32 $_size_execute0_lowered;
	s5 =	sadd.s32 s5, s7;
	[dreg:$0x0] =	wrdreg $0x0  }
0xaa: {  	s7 =	sshll.u32 s28, $0x1;
	[dreg:$0x2] =	wrdreg s5  }
0xab: {  	[dreg:$0x3] =	wrdreg s7  }
0xac: {  	[dreg:$0x4] =	wrdreg $0xC0  }
0xad: {  	_ =	task [dreg:s9], $0x5FFFF  }
0xae: {  	[dreg:$0x1] =	wrdreg $0xFFFFFFFF  }
0xaf: {  	[dreg:$0x0] =	wrdreg $0x60  }
0xb0: {  	[dreg:$0x2] =	wrdreg s24  }
0xb1: {  	[dreg:$0x3] =	wrdreg s2  }
0xb2: {  	[dreg:$0x4] =	wrdreg s18  }
0xb3: {  	[dreg:$0x5] =	wrdreg s4  }
0xb4: {  	[dreg:$0x6] =	wrdreg $0x0  }
0xb5: {  	[dreg:$0x7] =	wrdreg $0x140000  }
0xb6: {  	[dreg:$0x8] =	wrdreg $0x9  }
0xb7: {  	_ =	task.clear_ibuf [dreg:s9], $0x9FFFF;
	_ =	strace $0x90000046  }
0xb8: {  	s29 =	simm.s32 $0x9;
	_ =	strace $0x80000048  }
0xb9: {  	_ =	swait.ge [sflag:s29], $0x1  }
0xba: {  	[sflag:s29] =	ssyncadd.s32 $0xFFFFFFFF  }
0xbb: {  	_ =	strace $0x90000048  }
0xbc: {  	_ =	sfence  }
0xbd: {  	s30 =	sld [smem:$0x0];
	_ =	sdelay $0x2  }
0xbe: {  	s31 =	sshll.u32 s1, $0xD;
	s1 =	sshrl.u32 s1, $0x2  }
0xbf: {  	s3 =	sand.u32 $0x4000, s31;
	s1 =	sadd.s32 s1, s30  }
0xc0: {  	s0 =	sor.u32 s3, s0;
	s1 =	sshll.u32 s1, $0x11  }
0xc1: {  	s0 =	sor.u32 s1, s0  }
0xc2: {  	s0 =	sadd.s32 $0x8F2B, s0  }
0xc3: {  	[sflag:s0] =	ssyncadd.remote.s32 $0x1  }
0xc4: {  	_ =	sfence.sel $0xFFFF  }
0xc5: {  	[dreg:$0x0] =	wrdreg $0xFFFFFFFF;
	(pc) =	sbr.abs _section_cstart, $3  }
0xc6: {  	[dreg:$0x1] =	wrdreg $0xFFFFFFFF  }
0xc7: {  	_ =	task.clear_ibuf [dreg:s9], $0x2FFFF;
	_ =	strace $0x9FFFFFFF  }
0xc8: {  	(tm) =	ssettm $0x7FFFFFFF  }
0xc9: {  	_ =	shalt  }
tec
execute0_lowered:
.L_overlay_start_1:
0x0: {  	(tag) =	ssettag $0x1  }
0x1: {  	s2 =	rddreg [dreg:$0x0]  }
0x2: {  	s0 =	rddreg [dreg:$0x1]  }
0x3: {  	s1 =	rddreg [dreg:$0x2]  }
0x4: {  	s3 =	rddreg [dreg:$0x3];
	s17 =	stileid.u32  }
0x5: {  	s4 =	rddreg [dreg:$0x4];
	s11 =	smul.u32 $0x14000, s17  }
0x6: {  	s6 =	srdreg.scid;
	s15 =	smul.u32 $0x2800, s17  }
0x7: {  	s5 =	rddreg [dreg:$0x5];
	s10 =	sand.u32 $0x1, s6;
	s20 =	smul.u32 $0x50000, s17  }
0x8: {  	s6 =	simm.s32 $0x0;
	s8 =	sadd.s32 $0xB000, s2;
	s21 =	smul.u32 $0xA000, s17  }
0x9: {  	s14 =	sshll.u32 s17, $0x1;
	s7 =	smul.u32 $0x140000, s10;
	[smem:$0x7FF] =	sst s6  }
0xa: {  	s18 =	smul.u32 $0x28000, s10;
	s13 =	ssub.s32 $0x2, s10;
	s10 =	sor.u32 s10, s14  }
0xb: {  	s14 =	smul.u32 $0x280, s17;
	_ =	strace $0x80000047;
	s16 =	sshrl.u32 s13, $0x1  }
0xc: {  	s10 =	smul.u32 $0x2710, s10;
	s23 =	sshrl.u32 s20, $0x2;
	s9 =	sadd.s32 s11, s7  }
0xd: {  	s7 =	sadd.s32 $0x14E00, s2;
	s13 =	ssub.s32 s13, s16;
	s16 =	sadd.s32 s11, s4  }
0xe: {  	s24 =	sor.u32 $0x40, s14;
	s28 =	sadd.s32 $0x80, s14;
	s30 =	sadd.s32 $0xC0, s14  }
0xf: {  	s11 =	sadd.s32 $0x100, s14;
	s17 =	sadd.s32 $0x140, s14;
	s12 =	sshrl.u32 s9, $0x3  }
0x10: {  	s9 =	sadd.s32 $0x1200, s2;
	s22 =	smax.u32 s13, $0x1;
	s25 =	sshll.u32 s24, $0x7  }
0x11: {  	s29 =	sshll.u32 s28, $0x7;
	s31 =	sshll.u32 s30, $0x7;
	s2 =	sadd.s32 s12, s2  }
0x12: {  	s12 =	sadd.s32 s15, s18;
	s15 =	sadd.s32 s15, s5;
	[dreg:$0x9] =	wrdreg s22  }
0x13: {  	s18 =	sshll.u32 s17, $0x7;
	s2 =	sadd.s32 $0x3CE00, s2;
	s19 =	sshrl.u32 s12, $0x3  }
0x14: {  	s22 =	sadd.s32 $0x1C0, s14;
	[dreg:$0x7] =	wrdreg s2;
	s2 =	sadd.s32 s3, s19  }
0x15: {  	s12 =	sshll.u32 s11, $0x7;
	s3 =	sadd.s32 s23, s4;
	[dreg:$0x8] =	wrdreg s2  }
0x16: {  	s19 =	sadd.s32 $0x180, s14;
	s23 =	sshll.u32 s22, $0x7;
	[dreg:$0xa] =	wrdreg s3  }
0x17: {  	s2 =	sshrl.u32 s21, $0x2;
	s3 =	sshll.u32 s24, $0x4;
	s20 =	sshll.u32 s19, $0x7  }
0x18: {  	s21 =	sshll.u32 s19, $0x4;
	s24 =	sadd.s32 $0x200, s14;
	s2 =	sadd.s32 s2, s5  }
0x19: {  	s19 =	simm.s32 $0x168A0;
	s26 =	sadd.s32 s3, s5;
	[dreg:$0xb] =	wrdreg s2  }
0x1a: {  	s3 =	sadd.s32 s29, s4;
	s29 =	sadd.s32 $0x240, s14;
	[dreg:$0xd] =	wrdreg s26  }
0x1b: {  	s14 =	simm.s32 $0x1B8F0;
	s2 =	sadd.s32 s25, s4;
	[dreg:$0xe] =	wrdreg s3  }
0x1c: {  	s3 =	sshll.u32 s30, $0x4;
	s25 =	sshll.u32 s22, $0x4;
	s26 =	sshll.u32 s24, $0x7  }
0x1d: {  	s30 =	sshll.u32 s24, $0x4;
	s22 =	simm.s32 $0x190F0;
	s24 =	simm.s32 $0x2  }
0x1e: {  	[dreg:$0xc] =	wrdreg s2;
	s2 =	sshll.u32 s28, $0x4;
	s28 =	sadd.s32 s26, s4  }
0x1f: {  	s26 =	simm.s32 $0x0;
	s2 =	sadd.s32 s2, s5;
	[dreg:$0x1a] =	wrdreg s28  }
0x20: {  	[dreg:$0xf] =	wrdreg s2;
	s2 =	sadd.s32 s31, s4;
	s31 =	sshll.u32 s29, $0x7  }
0x21: {  	[dreg:$0x10] =	wrdreg s2;
	s2 =	sadd.s32 s3, s5;
	s3 =	sshll.u32 s11, $0x4  }
0x22: {  	[dreg:$0x11] =	wrdreg s2;
	s2 =	sadd.s32 s12, s4;
	s13 =	sadd.s32 s3, s5  }
0x23: {  	s3 =	sadd.s32 s18, s4;
	s12 =	sshrl.u32 s16, $0x3;
	[dreg:$0x12] =	wrdreg s2  }
0x24: {  	s16 =	simm.s32 $0x1D8F0;
	s18 =	simm.s32 $0x16850;
	[dreg:$0x13] =	wrdreg s13  }
0x25: {  	s2 =	sshll.u32 s17, $0x4;
	[dreg:$0x14] =	wrdreg s3;
	s3 =	sadd.s32 s30, s5  }
0x26: {  	s13 =	sshrl.u32 s15, $0x3;
	s2 =	sadd.s32 s2, s5;
	[dreg:$0x1b] =	wrdreg s3  }
0x27: {  	s15 =	simm.s32 $0x3;
	[dreg:$0x15] =	wrdreg s2;
	s2 =	sadd.s32 s20, s4  }
0x28: {  	s17 =	simm.s32 $0x16800;
	[dreg:$0x16] =	wrdreg s2;
	s2 =	sadd.s32 s21, s5  }
0x29: {  	s3 =	sadd.s32 s31, s4;
	[dreg:$0x17] =	wrdreg s2;
	s2 =	sadd.s32 s23, s4  }
0x2a: {  	s20 =	simm.s32 $0x50;
	[dreg:$0x18] =	wrdreg s2;
	s2 =	sadd.s32 s25, s5  }
0x2b: {  	s21 =	simm.s32 $0x168F0;
	[dreg:$0x19] =	wrdreg s2;
	s2 =	sshll.u32 s29, $0x4  }
0x2c: {  	v0 =	vimm.f32 $0.0e+00;
	v1 =	vimm.f32 $1.000000000e+00;
	s23 =	simm.s32 $0x1;
	s25 =	simm.s32 $0x1DCF0;
	s11 =	sadd.s32 s2, s5  }
.LBB2_1:
0x2d: {  	s2 =	sand.u32 $0x7E00, s6  }
0x2e: {  	s28 =	sand.u32 $0x70, s6;
	s29 =	sshrl.u32 s2, $0x2  }
0x2f: {  	s2 =	simm.s32 $0x40;
	s29 =	sor.u32 s28, s29;
	s28 =	simm.s32 $0x0  }
.LBB2_2:
0x30: {  	p0 =	sne.s32 s2, $0x7FC0  }
0x31: {  	[tilespmem:s29+$0x1B8F0] =	vst v0;
	s28 =	sadd.s32 $0x10, s28;
	s29 =	smov.u32 s2;
	s2 =	sadd.s32 $0x40, s2  }
.Ltmp0:
0x32: {  	(pc) =	sbr.rel @p0 .LBB2_2-.Ltmp0, $4  }
0x33: {  	_ = 	snop  }
0x34: {  	s29 =	sand.u32 $0x7E00, s29  }
0x35: {  	s30 =	sand.u32 $0x70, s28;
	s29 =	sshrl.u32 s29, $0x2  }
0x36: {  	s29 =	sor.u32 s30, s29  }
0x37: {  	[tilespmem:s29+$0x1B8F0] =	vst v0;
	s2 =	simm.s32 $0x40;
	s28 =	simm.s32 $0x0  }
.LBB2_4:
0x38: {  	p0 =	sne.s32 s2, $0xFC0;
	[tilespmem:s28+$0x1D8F0] =	vst v0;
	s28 =	smov.u32 s2;
	s2 =	sadd.s32 $0x40, s2  }
.Ltmp1:
0x39: {  	(pc) =	sbr.rel @p0 .LBB2_4-.Ltmp1, $2  }
0x3a: {  	_ =	sdelay $0x2  }
0x3b: {  	s28 =	sshra.s32 s28, $0x2  }
0x3c: {  	[tilespmem:s28+$0x1D8F0] =	vst v0;
	s2 =	simm.s32 $0x40;
	s28 =	simm.s32 $0x0  }
.LBB2_6:
0x3d: {  	p0 =	sne.s32 s2, $0x13C0;
	[tilespmem:s28+$0x1DCF0] =	vst v1;
	s28 =	smov.u32 s2;
	s2 =	sadd.s32 $0x40, s2  }
.Ltmp2:
0x3e: {  	(pc) =	sbr.rel @p0 .LBB2_6-.Ltmp2, $2  }
0x3f: {  	_ =	sdelay $0x2  }
0x40: {  	s28 =	sshra.s32 s28, $0x2  }
0x41: {  	[tilespmem:s28+$0x1DCF0] =	vst v1;
	s2 =	rddreg [dreg:$0xa]  }
0x42: {  	[spmem:s2] =	stream.linear.scatter [tilespmem:s14], [sflag:$0x3], $0x2000, $0x38;
	[tilespmem:$0x1E1F0] =	vst v63  }
0x43: {  	_ =	swait.ge [sflag:s15], $0x2000  }
0x44: {  	[sflag:s15] =	ssyncset.done $0x0  }
0x45: {  	s30 =	rddreg [dreg:$0xb];
	[sflag:s15] =	ssyncadd.s32 $0xFFFFE000  }
0x46: {  	[spmem:s30] =	stream.linear.scatter [tilespmem:s16], [sflag:$0x3], $0x400, $0x38;
	[tilespmem:$0x1E1F0] =	vst v63  }
0x47: {  	_ =	swait.ge [sflag:s15], $0x400  }
0x48: {  	[sflag:s15] =	ssyncset.done $0x0  }
0x49: {  	s31 =	rddreg [dreg:$0xc];
	[sflag:s15] =	ssyncadd.s32 $0xFFFFFC00  }
0x4a: {  	[spmem:s31] =	stream.linear.scatter [tilespmem:s14], [sflag:$0x3], $0x2000, $0x38;
	[tilespmem:$0x1E1F0] =	vst v63  }
0x4b: {  	_ =	swait.ge [sflag:s15], $0x2000  }
0x4c: {  	[sflag:s15] =	ssyncset.done $0x0  }
0x4d: {  	s29 =	rddreg [dreg:$0xd];
	[sflag:s15] =	ssyncadd.s32 $0xFFFFE000  }
0x4e: {  	[spmem:s29] =	stream.linear.scatter [tilespmem:s16], [sflag:$0x3], $0x400, $0x38;
	[tilespmem:$0x1E1F0] =	vst v63  }
0x4f: {  	_ =	swait.ge [sflag:s15], $0x400  }
0x50: {  	[sflag:s15] =	ssyncset.done $0x0  }
0x51: {  	s30 =	rddreg [dreg:$0xe];
	[sflag:s15] =	ssyncadd.s32 $0xFFFFFC00  }
0x52: {  	[spmem:s30] =	stream.linear.scatter [tilespmem:s14], [sflag:$0x3], $0x2000, $0x38;
	[tilespmem:$0x1E1F0] =	vst v63  }
0x53: {  	_ =	swait.ge [sflag:s15], $0x2000  }
0x54: {  	[sflag:s15] =	ssyncset.done $0x0  }
0x55: {  	s31 =	rddreg [dreg:$0xf];
	[sflag:s15] =	ssyncadd.s32 $0xFFFFE000  }
0x56: {  	[spmem:s31] =	stream.linear.scatter [tilespmem:s16], [sflag:$0x3], $0x400, $0x38;
	[tilespmem:$0x1E1F0] =	vst v63  }
0x57: {  	_ =	swait.ge [sflag:s15], $0x400  }
0x58: {  	[sflag:s15] =	ssyncset.done $0x0  }
0x59: {  	s29 =	rddreg [dreg:$0x10];
	[sflag:s15] =	ssyncadd.s32 $0xFFFFFC00  }
0x5a: {  	[spmem:s29] =	stream.linear.scatter [tilespmem:s14], [sflag:$0x3], $0x2000, $0x38;
	[tilespmem:$0x1E1F0] =	vst v63  }
0x5b: {  	_ =	swait.ge [sflag:s15], $0x2000  }
0x5c: {  	[sflag:s15] =	ssyncset.done $0x0  }
0x5d: {  	s30 =	rddreg [dreg:$0x11];
	[sflag:s15] =	ssyncadd.s32 $0xFFFFE000  }
0x5e: {  	[spmem:s30] =	stream.linear.scatter [tilespmem:s16], [sflag:$0x3], $0x400, $0x38;
	[tilespmem:$0x1E1F0] =	vst v63  }
0x5f: {  	_ =	swait.ge [sflag:s15], $0x400  }
0x60: {  	[sflag:s15] =	ssyncset.done $0x0  }
0x61: {  	s31 =	rddreg [dreg:$0x12];
	[sflag:s15] =	ssyncadd.s32 $0xFFFFFC00  }
0x62: {  	[spmem:s31] =	stream.linear.scatter [tilespmem:s14], [sflag:$0x3], $0x2000, $0x38;
	[tilespmem:$0x1E1F0] =	vst v63  }
0x63: {  	_ =	swait.ge [sflag:s15], $0x2000  }
0x64: {  	[sflag:s15] =	ssyncset.done $0x0  }
0x65: {  	s29 =	rddreg [dreg:$0x13];
	[sflag:s15] =	ssyncadd.s32 $0xFFFFE000  }
0x66: {  	[spmem:s29] =	stream.linear.scatter [tilespmem:s16], [sflag:$0x3], $0x400, $0x38;
	[tilespmem:$0x1E1F0] =	vst v63  }
0x67: {  	_ =	swait.ge [sflag:s15], $0x400  }
0x68: {  	[sflag:s15] =	ssyncset.done $0x0  }
0x69: {  	s30 =	rddreg [dreg:$0x14];
	[sflag:s15] =	ssyncadd.s32 $0xFFFFFC00  }
0x6a: {  	[spmem:s30] =	stream.linear.scatter [tilespmem:s14], [sflag:$0x3], $0x2000, $0x38;
	[tilespmem:$0x1E1F0] =	vst v63  }
0x6b: {  	_ =	swait.ge [sflag:s15], $0x2000  }
0x6c: {  	[sflag:s15] =	ssyncset.done $0x0  }
0x6d: {  	s31 =	rddreg [dreg:$0x15];
	[sflag:s15] =	ssyncadd.s32 $0xFFFFE000  }
0x6e: {  	[spmem:s31] =	stream.linear.scatter [tilespmem:s16], [sflag:$0x3], $0x400, $0x38;
	[tilespmem:$0x1E1F0] =	vst v63  }
0x6f: {  	_ =	swait.ge [sflag:s15], $0x400  }
0x70: {  	[sflag:s15] =	ssyncset.done $0x0  }
0x71: {  	s29 =	rddreg [dreg:$0x16];
	[sflag:s15] =	ssyncadd.s32 $0xFFFFFC00  }
0x72: {  	[spmem:s29] =	stream.linear.scatter [tilespmem:s14], [sflag:$0x3], $0x2000, $0x38;
	[tilespmem:$0x1E1F0] =	vst v63  }
0x73: {  	_ =	swait.ge [sflag:s15], $0x2000  }
0x74: {  	[sflag:s15] =	ssyncset.done $0x0  }
0x75: {  	s30 =	rddreg [dreg:$0x17];
	[sflag:s15] =	ssyncadd.s32 $0xFFFFE000  }
0x76: {  	[spmem:s30] =	stream.linear.scatter [tilespmem:s16], [sflag:$0x3], $0x400, $0x38;
	[tilespmem:$0x1E1F0] =	vst v63  }
0x77: {  	_ =	swait.ge [sflag:s15], $0x400  }
0x78: {  	[sflag:s15] =	ssyncset.done $0x0  }
0x79: {  	s31 =	rddreg [dreg:$0x18];
	[sflag:s15] =	ssyncadd.s32 $0xFFFFFC00  }
0x7a: {  	[spmem:s31] =	stream.linear.scatter [tilespmem:s14], [sflag:$0x3], $0x2000, $0x38;
	[tilespmem:$0x1E1F0] =	vst v63  }
0x7b: {  	_ =	swait.ge [sflag:s15], $0x2000  }
0x7c: {  	[sflag:s15] =	ssyncset.done $0x0  }
0x7d: {  	s29 =	rddreg [dreg:$0x19];
	[sflag:s15] =	ssyncadd.s32 $0xFFFFE000  }
0x7e: {  	[spmem:s29] =	stream.linear.scatter [tilespmem:s16], [sflag:$0x3], $0x400, $0x38;
	[tilespmem:$0x1E1F0] =	vst v63  }
0x7f: {  	_ =	swait.ge [sflag:s15], $0x400  }
0x80: {  	[sflag:s15] =	ssyncset.done $0x0  }
0x81: {  	s30 =	rddreg [dreg:$0x1a];
	[sflag:s15] =	ssyncadd.s32 $0xFFFFFC00  }
0x82: {  	[spmem:s30] =	stream.linear.scatter [tilespmem:s14], [sflag:$0x3], $0x2000, $0x38;
	[tilespmem:$0x1E1F0] =	vst v63  }
0x83: {  	_ =	swait.ge [sflag:s15], $0x2000  }
0x84: {  	[sflag:s15] =	ssyncset.done $0x0  }
0x85: {  	s31 =	rddreg [dreg:$0x1b];
	[sflag:s15] =	ssyncadd.s32 $0xFFFFE000  }
0x86: {  	[spmem:s31] =	stream.linear.scatter [tilespmem:s16], [sflag:$0x3], $0x400, $0x38;
	[tilespmem:$0x1E1F0] =	vst v63  }
0x87: {  	_ =	swait.ge [sflag:s15], $0x400  }
0x88: {  	[sflag:s15] =	ssyncset.done $0x0  }
0x89: {  	[sflag:s15] =	ssyncadd.s32 $0xFFFFFC00  }
0x8a: {  	[spmem:s3] =	stream.linear.scatter [tilespmem:s14], [sflag:$0x3], $0x2000, $0x38;
	[tilespmem:$0x1E1F0] =	vst v63  }
0x8b: {  	_ =	swait.ge [sflag:s15], $0x2000  }
0x8c: {  	[sflag:s15] =	ssyncset.done $0x0  }
0x8d: {  	[sflag:s15] =	ssyncadd.s32 $0xFFFFE000  }
0x8e: {  	[spmem:s11] =	stream.linear.scatter [tilespmem:s16], [sflag:$0x3], $0x400, $0x38;
	[tilespmem:$0x1E1F0] =	vst v63  }
0x8f: {  	_ =	swait.ge [sflag:s15], $0x400  }
0x90: {  	[sflag:s15] =	ssyncset.done $0x0  }
0x91: {  	[sflag:s15] =	ssyncadd.s32 $0xFFFFFC00  }
0x92: {  	s28 =	simm.s32 $0x0;
	[bflag:$0x0] =	sbarrier.arrive $0xFFFF  }
.LBB2_8:
0x93: {  	s2 =	smul.u32 $0x50, s28;
	_ =	sdelay $0x1  }
0x94: {  	s2 =	sadd.s32 s10, s2  }
0x95: {  	s2 =	sshrl.u32 s2, $0x3  }
0x96: {  	s29 =	sadd.s32 s8, s2  }
0x97: {  	[tilespmem:s17], [sflag:$0x3] =	stream.linear.gather [hbm4b:s29+s6], $0x50, $0x38;
	[tilespmem:$0x1E1F0] =	vst v63  }
0x98: {  	_ =	swait.ge [sflag:s15], $0x50  }
0x99: {  	[sflag:s15] =	ssyncset.done $0x0  }
0x9a: {  	s29 =	sadd.s32 s9, s2;
	[sflag:s15] =	ssyncadd.s32 $0xFFFFFFB0  }
0x9b: {  	[tilespmem:s18], [sflag:$0x3] =	stream.linear.gather [hbm4b:s29+s6], $0x50, $0x38;
	[tilespmem:$0x1E1F0] =	vst v63  }
0x9c: {  	_ =	swait.ge [sflag:s15], $0x50  }
0x9d: {  	[sflag:s15] =	ssyncset.done $0x0  }
0x9e: {  	s2 =	sadd.s32 s0, s2;
	[sflag:s15] =	ssyncadd.s32 $0xFFFFFFB0  }
0x9f: {  	[tilespmem:s19], [sflag:$0x3] =	stream.linear.gather [hbm4b:s2+s6], $0x50, $0x38;
	[tilespmem:$0x1E1F0] =	vst v63  }
0xa0: {  	_ =	swait.ge [sflag:s15], $0x50  }
0xa1: {  	[sflag:s15] =	ssyncset.done $0x0  }
0xa2: {  	[sflag:s15] =	ssyncadd.s32 $0xFFFFFFB0  }
0xa3: {  	[tilespmem:s21], [sflag:$0x1] =	stream.indirect.gather [hbm4b:s7+s20], $0x80, s17, s20, $0xb8;
	[tilespmem:$0x1E1F0] =	vst v63  }
0xa4: {  	_ = 	snop  }
0xa5: {  	[tilespmem:s22], [sflag:$0x2] =	stream.indirect.gather [hbm4b:s1+s20], $0x80, s19, s20, $0xb8;
	[tilespmem:$0x1E1F0] =	vst v63  }
0xa6: {  	_ =	swait.ge [sflag:s23], $0x2800  }
0xa7: {  	[sflag:s23] =	ssyncset.done $0x0  }
0xa8: {  	[sflag:s23] =	ssyncadd.s32 $0xFFFFD800  }
0xa9: {  	_ =	swait.ge [sflag:s24], $0x2800  }
0xaa: {  	[sflag:s24] =	ssyncset.done $0x0  }
0xab: {  	s29 =	simm.s32 $0x16930;
	[sflag:s24] =	ssyncadd.s32 $0xFFFFD800  }
0xac: {  	s30 =	simm.s32 $0x19130;
	v3 =	vld [tilespmem:s29+$0x30]  }
0xad: {  	v4 =	vld [tilespmem:s30+$0x30]  }
0xae: {  	v2 =	vld [tilespmem:s30+$0xFFFFFFC0]  }
0xaf: {  	v5 =	vld [tilespmem:s29+$0xFFFFFFD0]  }
0xb0: {  	v6 =	vld [tilespmem:s30+$0xFFFFFFD0]  }
0xb1: {  	v7 =	vld [tilespmem:s29+$0xFFFFFFE0]  }
0xb2: {  	v8 =	vld [tilespmem:s30+$0xFFFFFFE0]  }
0xb3: {  	v9 =	vld [tilespmem:s29+$0xFFFFFFF0]  }
0xb4: {  	v10 =	vld [tilespmem:s30+$0xFFFFFFF0]  }
0xb5: {  	v11 =	vld [tilespmem:s29+$0x0]  }
0xb6: {  	v12 =	vld [tilespmem:s30+$0x0];
	v4 =	vmul.f32 v4, v3  }
0xb7: {  	v6 =	vmul.f32 v6, v5;
	v3 =	vld [tilespmem:s29+$0x10]  }
0xb8: {  	v7 =	vmul.f32 v8, v7;
	v5 =	vld [tilespmem:s30+$0x10];
	[tilespmem:s29+$0x30] =	vst v4  }
0xb9: {  	v8 =	vmul.f32 v10, v9;
	[tilespmem:s29+$0xFFFFFFD0] =	vst v6;
	v4 =	vld [tilespmem:s29+$0x20]  }
0xba: {  	[tilespmem:s29+$0xFFFFFFE0] =	vst v7;
	v7 =	vld [tilespmem:s30+$0x20]  }
0xbb: {  	s31 =	simm.s32 $0x0;
	s2 =	simm.s32 $0x169B0;
	v6 =	vld [tilespmem:s29+$0xFFFFFFC0];
	[tilespmem:s29+$0xFFFFFFF0] =	vst v8;
	v8 =	vmul.f32 v12, v11  }
.LBB2_9:
0xbc: {  	v9 =	vld [tilespmem:s2+$0x30];
	s30 =	sadd.s32 $0x80, s30  }
0xbd: {  	s31 =	sadd.s32 $0x8, s31;
	v10 =	vld [tilespmem:s30+$0x30];
	[tilespmem:s29+$0x0] =	vst v8;
	v3 =	vmul.f32 v5, v3  }
0xbe: {  	p0 =	slt.u32 s31, $0x278;
	v5 =	vld [tilespmem:s30+$0xFFFFFFC0]  }
0xbf: {  	v8 =	vld [tilespmem:s2+$0xFFFFFFD0];
	[tilespmem:s29+$0x10] =	vst v3;
	v3 =	vmul.f32 v7, v4  }
0xc0: {  	v4 =	vld [tilespmem:s30+$0xFFFFFFD0];
	v11 =	vmul.f32 v2, v6  }
0xc1: {  	v6 =	vld [tilespmem:s2+$0xFFFFFFE0];
	[tilespmem:s29+$0x20] =	vst v3  }
0xc2: {  	v3 =	vld [tilespmem:s30+$0xFFFFFFE0];
	v7 =	vmul.f32 v10, v9;
	[tilespmem:s29+$0xFFFFFFC0] =	vst v11;
	s29 =	smov.u32 s2  }
0xc3: {  	v9 =	vld [tilespmem:s2+$0xFFFFFFF0];
	v2 =	vmov v5  }
0xc4: {  	v10 =	vld [tilespmem:s30+$0xFFFFFFF0];
	[tilespmem:s2+$0x30] =	vst v7  }
0xc5: {  	v4 =	vmul.f32 v4, v8;
	v8 =	vld [tilespmem:s2+$0x0]  }
0xc6: {  	v11 =	vld [tilespmem:s30+$0x0]  }
.Ltmp3:
0xc7: {  	[tilespmem:s2+$0xFFFFFFD0] =	vst v4;
	v4 =	vmul.f32 v3, v6;
	v3 =	vld [tilespmem:s2+$0x10];
	(pc) =	sbr.rel @p0 .LBB2_9-.Ltmp3, $4  }
0xc8: {  	v5 =	vld [tilespmem:s30+$0x10]  }
0xc9: {  	[tilespmem:s2+$0xFFFFFFE0] =	vst v4;
	v9 =	vmul.f32 v10, v9;
	v4 =	vld [tilespmem:s2+$0x20]  }
0xca: {  	v7 =	vld [tilespmem:s30+$0x20]  }
0xcb: {  	s2 =	sadd.s32 $0x80, s2;
	v6 =	vld [tilespmem:s29+$0xFFFFFFC0];
	[tilespmem:s29+$0xFFFFFFF0] =	vst v9;
	v8 =	vmul.f32 v11, v8  }
0xcc: {  	_ =	sdelay $0x1  }
0xcd: {  	v3 =	vmul.f32 v5, v3  }
0xce: {  	[tilespmem:s29+$0x0] =	vst v8;
	v4 =	vmul.f32 v7, v4  }
0xcf: {  	[tilespmem:s29+$0x10] =	vst v3;
	v2 =	vmul.f32 v2, v6  }
0xd0: {  	[tilespmem:s29+$0x20] =	vst v4  }
0xd1: {  	[tilespmem:s29+$0xFFFFFFC0] =	vst v2  }
0xd2: {  	[spmem:s4] =	stream.indirect.scatter.add.f32 [tilespmem:s21], [sflag:$0x3], $0x80, s18, s20, $0xb8;
	[tilespmem:$0x1E1F0] =	vst v63  }
0xd3: {  	s28 =	sadd.s32 $0x1, s28;
	_ =	swait.ge [sflag:s15], $0x2800  }
0xd4: {  	p0 =	sne.s32 s28, $0x7D;
	[sflag:s15] =	ssyncset.done $0x0  }
.Ltmp4:
0xd5: {  	[sflag:s15] =	ssyncadd.s32 $0xFFFFD800;
	(pc) =	sbr.rel @p0 .LBB2_8-.Ltmp4, $4  }
0xd6: {  	[spmem:s5] =	stream.indirect.scatter.add.f32 [tilespmem:s25], [sflag:$0x3], $0x10, s18, s20, $0xb8;
	[tilespmem:$0x1E1F0] =	vst v63  }
0xd7: {  	_ =	swait.ge [sflag:s15], $0x500  }
0xd8: {  	[sflag:s15] =	ssyncset.done $0x0  }
0xd9: {  	[sflag:s15] =	ssyncadd.s32 $0xFFFFFB00  }
0xda: {  	s2 =	stileid.u32  }
0xdb: {  	[bflag:$0x0] =	sbarrier.arrive $0xFFFF;
	s2 =	sshll.u32 s2, $0x6  }
0xdc: {  	s28 =	rddreg [dreg:$0x7];
	s2 =	sor.u32 $0x1C03, s2  }
0xdd: {  	[hbm:s28], [sflag:s2] =	dma.local [spmem:s12], $0x2800  }
0xde: {  	_ =	swait.ge [sflag:s15], $0x2800  }
0xdf: {  	[sflag:s15] =	ssyncset.done $0x0  }
0xe0: {  	s30 =	rddreg [dreg:$0x8];
	[sflag:s15] =	ssyncadd.s32 $0xFFFFD800  }
0xe1: {  	[hbm:s30], [sflag:s2] =	dma.local [spmem:s13], $0x500  }
0xe2: {  	_ =	swait.ge [sflag:s15], $0x500  }
0xe3: {  	s26 =	sadd.s32 $0x1, s26;
	s31 =	rddreg [dreg:$0x9]  }
0xe4: {  	p0 =	sne.s32 s26, s31  }
.Ltmp5:
0xe5: {  	_ = 	snop;
	(pc) =	sbr.rel @p0 .LBB2_1-.Ltmp5, $3  }
0xe6: {  	_ =	sdelay $0x1  }
0xe7: {  	[sflag:s15] =	ssyncset.done $0x0  }
0xe8: {  	[sflag:s15] =	ssyncadd.s32 $0xFFFFFB00  }
0xe9: {  	_ =	sfence.sel $0x180000  }
0xea: {  	[bflag:$0x0] =	sbarrier.arrive $0xFFFF  }
0xeb: {  	_ =	strace $0x90000047  }
0xec: {  	s0 =	stileid.u32;
	[bflag:$0x2] =	sbarrier.arrive $0xFFFF  }
0xed: {  	p0 =	sne.s32 s0, $0x0;
	s0 =	rddreg [dreg:$0x6]  }
0xee: {  	s0 =	sadd.s32 @!p0 $0x100000, s0  }
0xef: {  	[sflag:s0] =	ssyncadd.tile.s32 @!p0 $0x1;
	_ =	shalt  }
.Lfunc_end2:
_tile_overlayer_lowered:
.L_overlay_start_2:
0xf0: {  	(tag) =	ssettag $0x2  }
0xf1: {  	s0 =	rddreg [dreg:$0x0];
	s2 =	stileid.u32  }
0xf2: {  	s1 =	rddreg [dreg:$0x1];
	p0 =	sne.s32 s2, $0x0  }
0xf3: {  	s3 =	rddreg [dreg:$0x2];
	[bflag:$0x3] =	sbarrier.arrive $0xFFFF;
	s2 =	simm.s32 @!p0 $0x1C03  }
0xf4: {  	[timem:s3], [sflag:s2] =	dma.local @!p0 [hbm:s0], s1  }
0xf5: {  	s0 =	simm.s32 @!p0 $0x3  }
0xf6: {  	_ =	swait.ge @!p0 [sflag:s0], s1  }
0xf7: {  	s1 =	ssub.s32 @!p0 $0x0, s1;
	[sflag:s0] =	ssyncset.done @!p0 $0x0  }
0xf8: {  	[sflag:s0] =	ssyncadd.s32 @!p0 s1  }
0xf9: {  	[bflag:$0x3] =	sbarrier.arrive $0xFFFF  }
0xfa: {  	_ =	shalt  }

// kernel: kernel.9.cloned.1.call-start
scs
__scs_entry_jumppad:
0x0: {  	(pc) =	sbr.rel $0x88, $3  }
0x1: {  	(tag) =	ssettag $0x0;
	lr =	simm.s32 $0x1  }
0x2: {  	[smem:$0x3F9D] =	sst lr;
	_ =	strace $0xD0000000  }
0x3: {  	_ = 	snop  }
0x4: {  	_ = 	snop  }
0x5: {  	_ = 	snop  }
0x6: {  	_ = 	snop  }
0x7: {  	_ = 	snop  }
__scs_overlays_trampoline_lowered:
0x8: {  	[smem:$0x3FAC] =	sst s0  }
0x9: {  	[smem:$0x3FAD] =	sst s1  }
0xa: {  	[smem:$0x3FAE] =	sst s2  }
0xb: {  	[smem:$0x3FAF] =	sst s3  }
0xc: {  	[smem:$0x3FB0] =	sst s4  }
0xd: {  	[smem:$0x3FB1] =	sst s5  }
0xe: {  	[smem:$0x3FB2] =	sst s6  }
0xf: {  	[smem:$0x3FB3] =	sst s7  }
0x10: {  	[smem:$0x3FB4] =	sst s8  }
0x11: {  	[smem:$0x3FB5] =	sst s9;
	s0 =	simm.s32 @!p0 $0x0  }
0x12: {  	s1 =	sld [smem:$0x3F9B];
	s0 =	simm.s32 @p0 $0x1  }
0x13: {  	[smem:$0x3FB6] =	sst s0;
	s0 =	simm.s32 @!p1 $0x0  }
0x14: {  	s2 =	sld [smem:$0x3F9A];
	s0 =	simm.s32 @p1 $0x1  }
0x15: {  	[smem:$0x3FB7] =	sst s0;
	s0 =	simm.s32 @!p2 $0x0  }
0x16: {  	s3 =	sld [smem:$0x3FDB];
	s0 =	simm.s32 @p2 $0x1  }
0x17: {  	s4 =	simm.s32 $0x1BF5;
	[smem:$0x3FB9] =	sst s0  }
0x18: {  	s0 =	sld [smem:$0x3F9C];
	_ =	swait.ge [sflag:s4], $0x0  }
0x19: {  	s7 =	sld [smem:$0x3F9D]  }
0x1a: {  	s8 =	sadd.s32 $0xFFFFE003, lr  }
0x1b: {  	s9 =	sadd.s32 $0xFFFFFEF7, lr;
	s5 =	simm.s32 $0xFFFFFFFF;
	p2 =	slt.u32 s8, $0xFFFFF086  }
0x1c: {  	p1 =	slt.u32 s9, $0xF7A;
	s5 =	simm.s32 @!p2 $0x0  }
0x1d: {  	s5 =	simm.s32 @p1 $0x1;
	p0 =	seq.s32 s7, s2  }
0x1e: {  	s7 =	smul.u32 @!p0 $0xF7A, s2;
	p2 =	seq.s32 @!p0 s5, $0x0  }
0x1f: {  	s9 =	smul.u32 $0xF7A, s1;
	s8 =	simm.s32 @!p0 $0x1BF5;
	p2 =	por !p2, p0  }
0x20: {  	[sflag:s8] =	ssyncset.s32 @!p0 $0xFFFFF086;
	s6 =	sadd.s32 @!p0 s3, s7;
	s7 =	simm.s32 @!p0 $0x108  }
0x21: {  	s3 =	sadd.s32 s3, s9;
	s6 =	sadd.s32 @!p0 $0x88, s6;
	s7 =	simm.s32 @p2 $0x1082  }
0x22: {  	[simem:s7], [sflag:s8] =	dma.local @!p0 [hbm:s6], $0xF7A  }
0x23: {  	s9 =	sor.u32 $0xD0000000, s2;
	s6 =	simm.s32 $0x108;
	_ =	swait.ge @!p0 [sflag:s8], $0x0  }
0x24: {  	s3 =	sadd.s32 $0x88, s3;
	s6 =	simm.s32 @!p1 $0x1082;
	[sflag:s4] =	ssyncset.s32 $0xFFFFF086  }
0x25: {  	[simem:s6], [sflag:s4] =	dma.local [hbm:s3], $0xF7A  }
0x26: {  	[smem:$0x3F9D] =	sst s1;
	(tag) =	ssettag s2;
	_ =	strace s9  }
0x27: {  	s1 =	sld [smem:$0x3FAD]  }
0x28: {  	s2 =	sld [smem:$0x3FAE]  }
0x29: {  	s4 =	sld [smem:$0x3FB0]  }
0x2a: {  	p0 =	seq.s32 s5, $0x0;
	s5 =	sld [smem:$0x3FB1]  }
0x2b: {  	s6 =	sld [smem:$0x3FB2]  }
0x2c: {  	s7 =	sld [smem:$0x3FB3]  }
0x2d: {  	s3 =	simm.s32 $0x108;
	s8 =	sld [smem:$0x3FB4]  }
0x2e: {  	s3 =	simm.s32 @!p0 $0x1082;
	s9 =	sld [smem:$0x3FB5]  }
0x2f: {  	lr =	sadd.s32 s0, s3;
	s0 =	sld [smem:$0x3FAC]  }
0x30: {  	s3 =	sld [smem:$0x3FAF]  }
0x31: {  	[smem:$0x3FB8] =	sst s10  }
0x32: {  	s10 =	sld [smem:$0x3FB6];
	_ =	sdelay $0x3  }
0x33: {  	p0 =	seq.s32 s10, $0x1;
	s10 =	sld [smem:$0x3FB8];
	_ =	sdelay $0x3  }
0x34: {  	[smem:$0x3FB8] =	sst s10  }
0x35: {  	s10 =	sld [smem:$0x3FB7];
	_ =	sdelay $0x3  }
0x36: {  	p1 =	seq.s32 s10, $0x1;
	s10 =	sld [smem:$0x3FB8];
	_ =	sdelay $0x3  }
0x37: {  	[smem:$0x3FB8] =	sst s10  }
0x38: {  	s10 =	sld [smem:$0x3FB9]  }
0x39: {  	_ = 	snop;
	(pc) =	sbr.ind lr, $3  }
0x3a: {  	_ = 	snop  }
0x3b: {  	_ = 	snop  }
0x3c: {  	p2 =	seq.s32 s10, $0x1;
	s10 =	sld [smem:$0x3FB8]  }
0x3d: {  	_ =	shalt  }
0x3e: {  	_ =	shalt  }
0x3f: {  	_ =	shalt  }
0x40: {  	_ =	shalt  }
0x41: {  	_ =	shalt  }
0x42: {  	_ =	shalt  }
0x43: {  	_ =	shalt  }
0x44: {  	_ =	shalt  }
0x45: {  	_ =	shalt  }
0x46: {  	_ =	shalt  }
0x47: {  	_ =	shalt  }
0x48: {  	_ =	shalt  }
0x49: {  	_ =	shalt  }
0x4a: {  	_ =	shalt  }
0x4b: {  	_ =	shalt  }
0x4c: {  	_ =	shalt  }
0x4d: {  	_ =	shalt  }
0x4e: {  	_ =	shalt  }
0x4f: {  	_ =	shalt  }
0x50: {  	_ =	shalt  }
0x51: {  	_ =	shalt  }
0x52: {  	_ =	shalt  }
0x53: {  	_ =	shalt  }
0x54: {  	_ =	shalt  }
0x55: {  	_ =	shalt  }
0x56: {  	_ =	shalt  }
0x57: {  	_ =	shalt  }
0x58: {  	_ =	shalt  }
0x59: {  	_ =	shalt  }
0x5a: {  	_ =	shalt  }
0x5b: {  	_ =	shalt  }
0x5c: {  	_ =	shalt  }
0x5d: {  	_ =	shalt  }
0x5e: {  	_ =	shalt  }
0x5f: {  	_ =	shalt  }
0x60: {  	_ =	shalt  }
0x61: {  	_ =	shalt  }
0x62: {  	_ =	shalt  }
0x63: {  	_ =	shalt  }
0x64: {  	_ =	shalt  }
0x65: {  	_ =	shalt  }
0x66: {  	_ =	shalt  }
0x67: {  	_ =	shalt  }
0x68: {  	_ =	shalt  }
0x69: {  	_ =	shalt  }
0x6a: {  	_ =	shalt  }
0x6b: {  	_ =	shalt  }
0x6c: {  	_ =	shalt  }
0x6d: {  	_ =	shalt  }
0x6e: {  	_ =	shalt  }
0x6f: {  	_ =	shalt  }
0x70: {  	_ =	shalt  }
0x71: {  	_ =	shalt  }
0x72: {  	_ =	shalt  }
0x73: {  	_ =	shalt  }
0x74: {  	_ =	shalt  }
0x75: {  	_ =	shalt  }
0x76: {  	_ =	shalt  }
0x77: {  	_ =	shalt  }
0x78: {  	_ =	shalt  }
0x79: {  	_ =	shalt  }
0x7a: {  	_ =	shalt  }
0x7b: {  	_ =	shalt  }
0x7c: {  	_ =	shalt  }
0x7d: {  	_ =	shalt  }
0x7e: {  	_ =	shalt  }
0x7f: {  	_ =	shalt  }
0x80: {  	_ =	shalt  }
0x81: {  	_ =	shalt  }
0x82: {  	_ =	shalt  }
0x83: {  	_ =	shalt  }
0x84: {  	_ =	shalt  }
0x85: {  	_ =	shalt  }
0x86: {  	_ =	shalt  }
0x87: {  	_ =	shalt  }
.Lfunc_end0:
.L_simem_size_0:
called_computation.1_lowered:
.L_overlay_start_0:
0x88: {  	s2 =	sld [smem:$0x3FD9]  }
0x89: {  	s3 =	sld [smem:$0x3FFE];
	_ =	sdelay $0x1  }
0x8a: {  	s1 =	srdreg.scid  }
0x8b: {  	s0 =	sand.u32 $0x1, s1  }
0x8c: {  	s17 =	sshll.u32 s0, $0xA;
	s2 =	sadd.s32 s3, s2  }
0x8d: {  	s2 =	sadd.s32 s2, s17  }
0x8e: {  	[smem:$0x3FC4] =	sst s2  }
0x8f: {  	_ = 	snop  }
0x90: {  	s2 =	sld [smem:$0x3FC7]  }
0x91: {  	s18 =	sld [smem:$0x3FC6]  }
0x92: {  	s4 =	sld [smem:$0x3FD0];
	(tm) =	ssettm $0x1  }
0x93: {  	s5 =	sld [smem:$0x3FFB];
	_ =	sdelay $0x3  }
0x94: {  	_ =	strace s5  }
0x95: {  	s5 =	sld [smem:$0x3FFC];
	_ =	sdelay $0x3  }
0x96: {  	_ =	strace s5  }
0x97: {  	s5 =	sld [smem:$0x3FFD];
	_ =	sdelay $0x3  }
0x98: {  	_ =	strace s5  }
0x99: {  	_ =	strace $0x8FFFFFFF  }
0x9a: {  	s19 =	sld [smem:$0x3FDB];
	_ =	sdelay $0x1  }
0x9b: {  	s6 =	simm.s32 $_scs_section_size  }
0x9c: {  	s7 =	simm.s32 $_size__tile_overlayer_lowered;
	s8 =	simm.s32 $_tile_overlayer_lowered  }
0x9d: {  	s22 =	simm.s32 $0x1BFF;
	s21 =	sshll.u32 s8, $0x1;
	s5 =	sadd.s32 s6, s19  }
0x9e: {  	s9 =	simm.s32 $0x0;
	s20 =	sshll.u32 s7, $0x1;
	s7 =	sadd.s32 s21, s5  }
0x9f: {  	[timem:s9], [sflag:s22] =	dma.local [hbm:s7], s20  }
0xa0: {  	_ =	swait.ge [sflag:s22], s20  }
0xa1: {  	s6 =	ssub.s32 $0x0, s20;
	[sflag:s22] =	ssyncset.done $0x0  }
0xa2: {  	[sflag:s22] =	ssyncadd.s32 s6;
	_ =	sdelay $0x1  }
0xa3: {  	s23 =	simm.s32 $0x1B8B  }
0xa4: {  	_ =	swait.ge [sflag:s23], $0x1  }
0xa5: {  	[sflag:s23] =	ssyncset.done $0x0  }
0xa6: {  	s25 =	simm.s32 $0x1B8E;
	s24 =	sld [smem:$0x3FFE];
	[sflag:s23] =	ssyncadd.s32 $0xFFFFFFFF  }
0xa7: {  	s26 =	simm.s32 $execute0_lowered;
	[smem:$0x3FD2] =	sst s25  }
0xa8: {  	s7 =	sshll.u32 s26, $0x1;
	_ =	strace $0x80000049;
	[dreg:$0x1] =	wrdreg $0xFFFFFFFF  }
0xa9: {  	s28 =	simm.s32 $_size_execute0_lowered;
	s5 =	sadd.s32 s5, s7;
	[dreg:$0x0] =	wrdreg $0x0  }
0xaa: {  	s7 =	sshll.u32 s28, $0x1;
	[dreg:$0x2] =	wrdreg s5  }
0xab: {  	[dreg:$0x3] =	wrdreg s7  }
0xac: {  	[dreg:$0x4] =	wrdreg $0xC0  }
0xad: {  	_ =	task [dreg:s9], $0x5FFFF  }
0xae: {  	[dreg:$0x1] =	wrdreg $0xFFFFFFFF  }
0xaf: {  	[dreg:$0x0] =	wrdreg $0x60  }
0xb0: {  	[dreg:$0x2] =	wrdreg s24  }
0xb1: {  	[dreg:$0x3] =	wrdreg s2  }
0xb2: {  	[dreg:$0x4] =	wrdreg s18  }
0xb3: {  	[dreg:$0x5] =	wrdreg s4  }
0xb4: {  	[dreg:$0x6] =	wrdreg $0x0  }
0xb5: {  	[dreg:$0x7] =	wrdreg $0x140000  }
0xb6: {  	[dreg:$0x8] =	wrdreg $0x9  }
0xb7: {  	_ =	task.clear_ibuf [dreg:s9], $0x9FFFF;
	_ =	strace $0x90000049  }
0xb8: {  	s29 =	simm.s32 $0x9;
	_ =	strace $0x8000004B  }
0xb9: {  	_ =	swait.ge [sflag:s29], $0x1  }
0xba: {  	[sflag:s29] =	ssyncadd.s32 $0xFFFFFFFF  }
0xbb: {  	_ =	strace $0x9000004B  }
0xbc: {  	_ =	sfence  }
0xbd: {  	s30 =	sld [smem:$0x0];
	_ =	sdelay $0x2  }
0xbe: {  	s31 =	sshll.u32 s1, $0xD;
	s1 =	sshrl.u32 s1, $0x2  }
0xbf: {  	s3 =	sand.u32 $0x4000, s31;
	s1 =	sadd.s32 s1, s30  }
0xc0: {  	s0 =	sor.u32 s3, s0;
	s1 =	sshll.u32 s1, $0x11  }
0xc1: {  	s0 =	sor.u32 s1, s0  }
0xc2: {  	s0 =	sadd.s32 $0x8F2B, s0  }
0xc3: {  	[sflag:s0] =	ssyncadd.remote.s32 $0x1  }
0xc4: {  	_ =	sfence.sel $0xFFFF  }
0xc5: {  	[dreg:$0x0] =	wrdreg $0xFFFFFFFF;
	(pc) =	sbr.abs _section_cstart, $3  }
0xc6: {  	[dreg:$0x1] =	wrdreg $0xFFFFFFFF  }
0xc7: {  	_ =	task.clear_ibuf [dreg:s9], $0x2FFFF;
	_ =	strace $0x9FFFFFFF  }
0xc8: {  	(tm) =	ssettm $0x7FFFFFFF  }
0xc9: {  	_ =	shalt  }
tec
execute0_lowered:
.L_overlay_start_1:
0x0: {  	(tag) =	ssettag $0x1  }
0x1: {  	s2 =	rddreg [dreg:$0x0]  }
0x2: {  	s0 =	rddreg [dreg:$0x1]  }
0x3: {  	s1 =	rddreg [dreg:$0x2]  }
0x4: {  	s3 =	rddreg [dreg:$0x3];
	s17 =	stileid.u32  }
0x5: {  	s4 =	rddreg [dreg:$0x4];
	s11 =	smul.u32 $0x14000, s17  }
0x6: {  	s6 =	srdreg.scid;
	s15 =	smul.u32 $0x2800, s17  }
0x7: {  	s5 =	rddreg [dreg:$0x5];
	s10 =	sand.u32 $0x1, s6;
	s20 =	smul.u32 $0x50000, s17  }
0x8: {  	s6 =	simm.s32 $0x0;
	s8 =	sadd.s32 $0xB000, s2;
	s21 =	smul.u32 $0xA000, s17  }
0x9: {  	s14 =	sshll.u32 s17, $0x1;
	s7 =	smul.u32 $0x140000, s10;
	[smem:$0x7FF] =	sst s6  }
0xa: {  	s18 =	smul.u32 $0x28000, s10;
	s13 =	ssub.s32 $0x2, s10;
	s10 =	sor.u32 s10, s14  }
0xb: {  	s14 =	smul.u32 $0x280, s17;
	_ =	strace $0x8000004A;
	s16 =	sshrl.u32 s13, $0x1  }
0xc: {  	s10 =	smul.u32 $0x2710, s10;
	s23 =	sshrl.u32 s20, $0x2;
	s9 =	sadd.s32 s11, s7  }
0xd: {  	s7 =	sadd.s32 $0x14E00, s2;
	s13 =	ssub.s32 s13, s16;
	s16 =	sadd.s32 s11, s4  }
0xe: {  	s24 =	sor.u32 $0x40, s14;
	s28 =	sadd.s32 $0x80, s14;
	s30 =	sadd.s32 $0xC0, s14  }
0xf: {  	s11 =	sadd.s32 $0x100, s14;
	s17 =	sadd.s32 $0x140, s14;
	s12 =	sshrl.u32 s9, $0x3  }
0x10: {  	s9 =	sadd.s32 $0x1200, s2;
	s22 =	smax.u32 s13, $0x1;
	s25 =	sshll.u32 s24, $0x7  }
0x11: {  	s29 =	sshll.u32 s28, $0x7;
	s31 =	sshll.u32 s30, $0x7;
	s2 =	sadd.s32 s12, s2  }
0x12: {  	s12 =	sadd.s32 s15, s18;
	s15 =	sadd.s32 s15, s5;
	[dreg:$0x9] =	wrdreg s22  }
0x13: {  	s18 =	sshll.u32 s17, $0x7;
	s2 =	sadd.s32 $0x3CE00, s2;
	s19 =	sshrl.u32 s12, $0x3  }
0x14: {  	s22 =	sadd.s32 $0x1C0, s14;
	[dreg:$0x7] =	wrdreg s2;
	s2 =	sadd.s32 s3, s19  }
0x15: {  	s12 =	sshll.u32 s11, $0x7;
	s3 =	sadd.s32 s23, s4;
	[dreg:$0x8] =	wrdreg s2  }
0x16: {  	s19 =	sadd.s32 $0x180, s14;
	s23 =	sshll.u32 s22, $0x7;
	[dreg:$0xa] =	wrdreg s3  }
0x17: {  	s2 =	sshrl.u32 s21, $0x2;
	s3 =	sshll.u32 s24, $0x4;
	s20 =	sshll.u32 s19, $0x7  }
0x18: {  	s21 =	sshll.u32 s19, $0x4;
	s24 =	sadd.s32 $0x200, s14;
	s2 =	sadd.s32 s2, s5  }
0x19: {  	s19 =	simm.s32 $0x168A0;
	s26 =	sadd.s32 s3, s5;
	[dreg:$0xb] =	wrdreg s2  }
0x1a: {  	s3 =	sadd.s32 s29, s4;
	s29 =	sadd.s32 $0x240, s14;
	[dreg:$0xd] =	wrdreg s26  }
0x1b: {  	s14 =	simm.s32 $0x1B8F0;
	s2 =	sadd.s32 s25, s4;
	[dreg:$0xe] =	wrdreg s3  }
0x1c: {  	s3 =	sshll.u32 s30, $0x4;
	s25 =	sshll.u32 s22, $0x4;
	s26 =	sshll.u32 s24, $0x7  }
0x1d: {  	s30 =	sshll.u32 s24, $0x4;
	s22 =	simm.s32 $0x190F0;
	s24 =	simm.s32 $0x2  }
0x1e: {  	[dreg:$0xc] =	wrdreg s2;
	s2 =	sshll.u32 s28, $0x4;
	s28 =	sadd.s32 s26, s4  }
0x1f: {  	s26 =	simm.s32 $0x0;
	s2 =	sadd.s32 s2, s5;
	[dreg:$0x1a] =	wrdreg s28  }
0x20: {  	[dreg:$0xf] =	wrdreg s2;
	s2 =	sadd.s32 s31, s4;
	s31 =	sshll.u32 s29, $0x7  }
0x21: {  	[dreg:$0x10] =	wrdreg s2;
	s2 =	sadd.s32 s3, s5;
	s3 =	sshll.u32 s11, $0x4  }
0x22: {  	[dreg:$0x11] =	wrdreg s2;
	s2 =	sadd.s32 s12, s4;
	s13 =	sadd.s32 s3, s5  }
0x23: {  	s3 =	sadd.s32 s18, s4;
	s12 =	sshrl.u32 s16, $0x3;
	[dreg:$0x12] =	wrdreg s2  }
0x24: {  	s16 =	simm.s32 $0x1D8F0;
	s18 =	simm.s32 $0x16850;
	[dreg:$0x13] =	wrdreg s13  }
0x25: {  	s2 =	sshll.u32 s17, $0x4;
	[dreg:$0x14] =	wrdreg s3;
	s3 =	sadd.s32 s30, s5  }
0x26: {  	s13 =	sshrl.u32 s15, $0x3;
	s2 =	sadd.s32 s2, s5;
	[dreg:$0x1b] =	wrdreg s3  }
0x27: {  	s15 =	simm.s32 $0x3;
	[dreg:$0x15] =	wrdreg s2;
	s2 =	sadd.s32 s20, s4  }
0x28: {  	s17 =	simm.s32 $0x16800;
	[dreg:$0x16] =	wrdreg s2;
	s2 =	sadd.s32 s21, s5  }
0x29: {  	s3 =	sadd.s32 s31, s4;
	[dreg:$0x17] =	wrdreg s2;
	s2 =	sadd.s32 s23, s4  }
0x2a: {  	s20 =	simm.s32 $0x50;
	[dreg:$0x18] =	wrdreg s2;
	s2 =	sadd.s32 s25, s5  }
0x2b: {  	s21 =	simm.s32 $0x168F0;
	[dreg:$0x19] =	wrdreg s2;
	s2 =	sshll.u32 s29, $0x4  }
0x2c: {  	v0 =	vimm.f32 $0.0e+00;
	v1 =	vimm.f32 $1.000000000e+00;
	s23 =	simm.s32 $0x1;
	s25 =	simm.s32 $0x1DCF0;
	s11 =	sadd.s32 s2, s5  }
.LBB2_1:
0x2d: {  	s2 =	sand.u32 $0x7E00, s6  }
0x2e: {  	s28 =	sand.u32 $0x70, s6;
	s29 =	sshrl.u32 s2, $0x2  }
0x2f: {  	s2 =	simm.s32 $0x40;
	s29 =	sor.u32 s28, s29;
	s28 =	simm.s32 $0x0  }
.LBB2_2:
0x30: {  	p0 =	sne.s32 s2, $0x7FC0  }
0x31: {  	[tilespmem:s29+$0x1B8F0] =	vst v0;
	s28 =	sadd.s32 $0x10, s28;
	s29 =	smov.u32 s2;
	s2 =	sadd.s32 $0x40, s2  }
.Ltmp0:
0x32: {  	(pc) =	sbr.rel @p0 .LBB2_2-.Ltmp0, $4  }
0x33: {  	_ = 	snop  }
0x34: {  	s29 =	sand.u32 $0x7E00, s29  }
0x35: {  	s30 =	sand.u32 $0x70, s28;
	s29 =	sshrl.u32 s29, $0x2  }
0x36: {  	s29 =	sor.u32 s30, s29  }
0x37: {  	[tilespmem:s29+$0x1B8F0] =	vst v0;
	s2 =	simm.s32 $0x40;
	s28 =	simm.s32 $0x0  }
.LBB2_4:
0x38: {  	p0 =	sne.s32 s2, $0xFC0;
	[tilespmem:s28+$0x1D8F0] =	vst v0;
	s28 =	smov.u32 s2;
	s2 =	sadd.s32 $0x40, s2  }
.Ltmp1:
0x39: {  	(pc) =	sbr.rel @p0 .LBB2_4-.Ltmp1, $2  }
0x3a: {  	_ =	sdelay $0x2  }
0x3b: {  	s28 =	sshra.s32 s28, $0x2  }
0x3c: {  	[tilespmem:s28+$0x1D8F0] =	vst v0;
	s2 =	simm.s32 $0x40;
	s28 =	simm.s32 $0x0  }
.LBB2_6:
0x3d: {  	p0 =	sne.s32 s2, $0x13C0;
	[tilespmem:s28+$0x1DCF0] =	vst v1;
	s28 =	smov.u32 s2;
	s2 =	sadd.s32 $0x40, s2  }
.Ltmp2:
0x3e: {  	(pc) =	sbr.rel @p0 .LBB2_6-.Ltmp2, $2  }
0x3f: {  	_ =	sdelay $0x2  }
0x40: {  	s28 =	sshra.s32 s28, $0x2  }
0x41: {  	[tilespmem:s28+$0x1DCF0] =	vst v1;
	s2 =	rddreg [dreg:$0xa]  }
0x42: {  	[spmem:s2] =	stream.linear.scatter [tilespmem:s14], [sflag:$0x3], $0x2000, $0x38;
	[tilespmem:$0x1E1F0] =	vst v63  }
0x43: {  	_ =	swait.ge [sflag:s15], $0x2000  }
0x44: {  	[sflag:s15] =	ssyncset.done $0x0  }
0x45: {  	s30 =	rddreg [dreg:$0xb];
	[sflag:s15] =	ssyncadd.s32 $0xFFFFE000  }
0x46: {  	[spmem:s30] =	stream.linear.scatter [tilespmem:s16], [sflag:$0x3], $0x400, $0x38;
	[tilespmem:$0x1E1F0] =	vst v63  }
0x47: {  	_ =	swait.ge [sflag:s15], $0x400  }
0x48: {  	[sflag:s15] =	ssyncset.done $0x0  }
0x49: {  	s31 =	rddreg [dreg:$0xc];
	[sflag:s15] =	ssyncadd.s32 $0xFFFFFC00  }
0x4a: {  	[spmem:s31] =	stream.linear.scatter [tilespmem:s14], [sflag:$0x3], $0x2000, $0x38;
	[tilespmem:$0x1E1F0] =	vst v63  }
0x4b: {  	_ =	swait.ge [sflag:s15], $0x2000  }
0x4c: {  	[sflag:s15] =	ssyncset.done $0x0  }
0x4d: {  	s29 =	rddreg [dreg:$0xd];
	[sflag:s15] =	ssyncadd.s32 $0xFFFFE000  }
0x4e: {  	[spmem:s29] =	stream.linear.scatter [tilespmem:s16], [sflag:$0x3], $0x400, $0x38;
	[tilespmem:$0x1E1F0] =	vst v63  }
0x4f: {  	_ =	swait.ge [sflag:s15], $0x400  }
0x50: {  	[sflag:s15] =	ssyncset.done $0x0  }
0x51: {  	s30 =	rddreg [dreg:$0xe];
	[sflag:s15] =	ssyncadd.s32 $0xFFFFFC00  }
0x52: {  	[spmem:s30] =	stream.linear.scatter [tilespmem:s14], [sflag:$0x3], $0x2000, $0x38;
	[tilespmem:$0x1E1F0] =	vst v63  }
0x53: {  	_ =	swait.ge [sflag:s15], $0x2000  }
0x54: {  	[sflag:s15] =	ssyncset.done $0x0  }
0x55: {  	s31 =	rddreg [dreg:$0xf];
	[sflag:s15] =	ssyncadd.s32 $0xFFFFE000  }
0x56: {  	[spmem:s31] =	stream.linear.scatter [tilespmem:s16], [sflag:$0x3], $0x400, $0x38;
	[tilespmem:$0x1E1F0] =	vst v63  }
0x57: {  	_ =	swait.ge [sflag:s15], $0x400  }
0x58: {  	[sflag:s15] =	ssyncset.done $0x0  }
0x59: {  	s29 =	rddreg [dreg:$0x10];
	[sflag:s15] =	ssyncadd.s32 $0xFFFFFC00  }
0x5a: {  	[spmem:s29] =	stream.linear.scatter [tilespmem:s14], [sflag:$0x3], $0x2000, $0x38;
	[tilespmem:$0x1E1F0] =	vst v63  }
0x5b: {  	_ =	swait.ge [sflag:s15], $0x2000  }
0x5c: {  	[sflag:s15] =	ssyncset.done $0x0  }
0x5d: {  	s30 =	rddreg [dreg:$0x11];
	[sflag:s15] =	ssyncadd.s32 $0xFFFFE000  }
0x5e: {  	[spmem:s30] =	stream.linear.scatter [tilespmem:s16], [sflag:$0x3], $0x400, $0x38;
	[tilespmem:$0x1E1F0] =	vst v63  }
0x5f: {  	_ =	swait.ge [sflag:s15], $0x400  }
0x60: {  	[sflag:s15] =	ssyncset.done $0x0  }
0x61: {  	s31 =	rddreg [dreg:$0x12];
	[sflag:s15] =	ssyncadd.s32 $0xFFFFFC00  }
0x62: {  	[spmem:s31] =	stream.linear.scatter [tilespmem:s14], [sflag:$0x3], $0x2000, $0x38;
	[tilespmem:$0x1E1F0] =	vst v63  }
0x63: {  	_ =	swait.ge [sflag:s15], $0x2000  }
0x64: {  	[sflag:s15] =	ssyncset.done $0x0  }
0x65: {  	s29 =	rddreg [dreg:$0x13];
	[sflag:s15] =	ssyncadd.s32 $0xFFFFE000  }
0x66: {  	[spmem:s29] =	stream.linear.scatter [tilespmem:s16], [sflag:$0x3], $0x400, $0x38;
	[tilespmem:$0x1E1F0] =	vst v63  }
0x67: {  	_ =	swait.ge [sflag:s15], $0x400  }
0x68: {  	[sflag:s15] =	ssyncset.done $0x0  }
0x69: {  	s30 =	rddreg [dreg:$0x14];
	[sflag:s15] =	ssyncadd.s32 $0xFFFFFC00  }
0x6a: {  	[spmem:s30] =	stream.linear.scatter [tilespmem:s14], [sflag:$0x3], $0x2000, $0x38;
	[tilespmem:$0x1E1F0] =	vst v63  }
0x6b: {  	_ =	swait.ge [sflag:s15], $0x2000  }
0x6c: {  	[sflag:s15] =	ssyncset.done $0x0  }
0x6d: {  	s31 =	rddreg [dreg:$0x15];
	[sflag:s15] =	ssyncadd.s32 $0xFFFFE000  }
0x6e: {  	[spmem:s31] =	stream.linear.scatter [tilespmem:s16], [sflag:$0x3], $0x400, $0x38;
	[tilespmem:$0x1E1F0] =	vst v63  }
0x6f: {  	_ =	swait.ge [sflag:s15], $0x400  }
0x70: {  	[sflag:s15] =	ssyncset.done $0x0  }
0x71: {  	s29 =	rddreg [dreg:$0x16];
	[sflag:s15] =	ssyncadd.s32 $0xFFFFFC00  }
0x72: {  	[spmem:s29] =	stream.linear.scatter [tilespmem:s14], [sflag:$0x3], $0x2000, $0x38;
	[tilespmem:$0x1E1F0] =	vst v63  }
0x73: {  	_ =	swait.ge [sflag:s15], $0x2000  }
0x74: {  	[sflag:s15] =	ssyncset.done $0x0  }
0x75: {  	s30 =	rddreg [dreg:$0x17];
	[sflag:s15] =	ssyncadd.s32 $0xFFFFE000  }
0x76: {  	[spmem:s30] =	stream.linear.scatter [tilespmem:s16], [sflag:$0x3], $0x400, $0x38;
	[tilespmem:$0x1E1F0] =	vst v63  }
0x77: {  	_ =	swait.ge [sflag:s15], $0x400  }
0x78: {  	[sflag:s15] =	ssyncset.done $0x0  }
0x79: {  	s31 =	rddreg [dreg:$0x18];
	[sflag:s15] =	ssyncadd.s32 $0xFFFFFC00  }
0x7a: {  	[spmem:s31] =	stream.linear.scatter [tilespmem:s14], [sflag:$0x3], $0x2000, $0x38;
	[tilespmem:$0x1E1F0] =	vst v63  }
0x7b: {  	_ =	swait.ge [sflag:s15], $0x2000  }
0x7c: {  	[sflag:s15] =	ssyncset.done $0x0  }
0x7d: {  	s29 =	rddreg [dreg:$0x19];
	[sflag:s15] =	ssyncadd.s32 $0xFFFFE000  }
0x7e: {  	[spmem:s29] =	stream.linear.scatter [tilespmem:s16], [sflag:$0x3], $0x400, $0x38;
	[tilespmem:$0x1E1F0] =	vst v63  }
0x7f: {  	_ =	swait.ge [sflag:s15], $0x400  }
0x80: {  	[sflag:s15] =	ssyncset.done $0x0  }
0x81: {  	s30 =	rddreg [dreg:$0x1a];
	[sflag:s15] =	ssyncadd.s32 $0xFFFFFC00  }
0x82: {  	[spmem:s30] =	stream.linear.scatter [tilespmem:s14], [sflag:$0x3], $0x2000, $0x38;
	[tilespmem:$0x1E1F0] =	vst v63  }
0x83: {  	_ =	swait.ge [sflag:s15], $0x2000  }
0x84: {  	[sflag:s15] =	ssyncset.done $0x0  }
0x85: {  	s31 =	rddreg [dreg:$0x1b];
	[sflag:s15] =	ssyncadd.s32 $0xFFFFE000  }
0x86: {  	[spmem:s31] =	stream.linear.scatter [tilespmem:s16], [sflag:$0x3], $0x400, $0x38;
	[tilespmem:$0x1E1F0] =	vst v63  }
0x87: {  	_ =	swait.ge [sflag:s15], $0x400  }
0x88: {  	[sflag:s15] =	ssyncset.done $0x0  }
0x89: {  	[sflag:s15] =	ssyncadd.s32 $0xFFFFFC00  }
0x8a: {  	[spmem:s3] =	stream.linear.scatter [tilespmem:s14], [sflag:$0x3], $0x2000, $0x38;
	[tilespmem:$0x1E1F0] =	vst v63  }
0x8b: {  	_ =	swait.ge [sflag:s15], $0x2000  }
0x8c: {  	[sflag:s15] =	ssyncset.done $0x0  }
0x8d: {  	[sflag:s15] =	ssyncadd.s32 $0xFFFFE000  }
0x8e: {  	[spmem:s11] =	stream.linear.scatter [tilespmem:s16], [sflag:$0x3], $0x400, $0x38;
	[tilespmem:$0x1E1F0] =	vst v63  }
0x8f: {  	_ =	swait.ge [sflag:s15], $0x400  }
0x90: {  	[sflag:s15] =	ssyncset.done $0x0  }
0x91: {  	[sflag:s15] =	ssyncadd.s32 $0xFFFFFC00  }
0x92: {  	s28 =	simm.s32 $0x0;
	[bflag:$0x0] =	sbarrier.arrive $0xFFFF  }
.LBB2_8:
0x93: {  	s2 =	smul.u32 $0x50, s28;
	_ =	sdelay $0x1  }
0x94: {  	s2 =	sadd.s32 s10, s2  }
0x95: {  	s2 =	sshrl.u32 s2, $0x3  }
0x96: {  	s29 =	sadd.s32 s8, s2  }
0x97: {  	[tilespmem:s17], [sflag:$0x3] =	stream.linear.gather [hbm4b:s29+s6], $0x50, $0x38;
	[tilespmem:$0x1E1F0] =	vst v63  }
0x98: {  	_ =	swait.ge [sflag:s15], $0x50  }
0x99: {  	[sflag:s15] =	ssyncset.done $0x0  }
0x9a: {  	s29 =	sadd.s32 s9, s2;
	[sflag:s15] =	ssyncadd.s32 $0xFFFFFFB0  }
0x9b: {  	[tilespmem:s18], [sflag:$0x3] =	stream.linear.gather [hbm4b:s29+s6], $0x50, $0x38;
	[tilespmem:$0x1E1F0] =	vst v63  }
0x9c: {  	_ =	swait.ge [sflag:s15], $0x50  }
0x9d: {  	[sflag:s15] =	ssyncset.done $0x0  }
0x9e: {  	s2 =	sadd.s32 s0, s2;
	[sflag:s15] =	ssyncadd.s32 $0xFFFFFFB0  }
0x9f: {  	[tilespmem:s19], [sflag:$0x3] =	stream.linear.gather [hbm4b:s2+s6], $0x50, $0x38;
	[tilespmem:$0x1E1F0] =	vst v63  }
0xa0: {  	_ =	swait.ge [sflag:s15], $0x50  }
0xa1: {  	[sflag:s15] =	ssyncset.done $0x0  }
0xa2: {  	[sflag:s15] =	ssyncadd.s32 $0xFFFFFFB0  }
0xa3: {  	[tilespmem:s21], [sflag:$0x1] =	stream.indirect.gather [hbm4b:s7+s20], $0x80, s17, s20, $0xb8;
	[tilespmem:$0x1E1F0] =	vst v63  }
0xa4: {  	_ = 	snop  }
0xa5: {  	[tilespmem:s22], [sflag:$0x2] =	stream.indirect.gather [hbm4b:s1+s20], $0x80, s19, s20, $0xb8;
	[tilespmem:$0x1E1F0] =	vst v63  }
0xa6: {  	_ =	swait.ge [sflag:s23], $0x2800  }
0xa7: {  	[sflag:s23] =	ssyncset.done $0x0  }
0xa8: {  	[sflag:s23] =	ssyncadd.s32 $0xFFFFD800  }
0xa9: {  	_ =	swait.ge [sflag:s24], $0x2800  }
0xaa: {  	[sflag:s24] =	ssyncset.done $0x0  }
0xab: {  	s29 =	simm.s32 $0x16930;
	[sflag:s24] =	ssyncadd.s32 $0xFFFFD800  }
0xac: {  	s30 =	simm.s32 $0x19130;
	v3 =	vld [tilespmem:s29+$0x30]  }
0xad: {  	v4 =	vld [tilespmem:s30+$0x30]  }
0xae: {  	v2 =	vld [tilespmem:s30+$0xFFFFFFC0]  }
0xaf: {  	v5 =	vld [tilespmem:s29+$0xFFFFFFD0]  }
0xb0: {  	v6 =	vld [tilespmem:s30+$0xFFFFFFD0]  }
0xb1: {  	v7 =	vld [tilespmem:s29+$0xFFFFFFE0]  }
0xb2: {  	v8 =	vld [tilespmem:s30+$0xFFFFFFE0]  }
0xb3: {  	v9 =	vld [tilespmem:s29+$0xFFFFFFF0]  }
0xb4: {  	v10 =	vld [tilespmem:s30+$0xFFFFFFF0]  }
0xb5: {  	v11 =	vld [tilespmem:s29+$0x0]  }
0xb6: {  	v12 =	vld [tilespmem:s30+$0x0];
	v4 =	vmul.f32 v4, v3  }
0xb7: {  	v6 =	vmul.f32 v6, v5;
	v3 =	vld [tilespmem:s29+$0x10]  }
0xb8: {  	v7 =	vmul.f32 v8, v7;
	v5 =	vld [tilespmem:s30+$0x10];
	[tilespmem:s29+$0x30] =	vst v4  }
0xb9: {  	v8 =	vmul.f32 v10, v9;
	[tilespmem:s29+$0xFFFFFFD0] =	vst v6;
	v4 =	vld [tilespmem:s29+$0x20]  }
0xba: {  	[tilespmem:s29+$0xFFFFFFE0] =	vst v7;
	v7 =	vld [tilespmem:s30+$0x20]  }
0xbb: {  	s31 =	simm.s32 $0x0;
	s2 =	simm.s32 $0x169B0;
	v6 =	vld [tilespmem:s29+$0xFFFFFFC0];
	[tilespmem:s29+$0xFFFFFFF0] =	vst v8;
	v8 =	vmul.f32 v12, v11  }
.LBB2_9:
0xbc: {  	v9 =	vld [tilespmem:s2+$0x30];
	s30 =	sadd.s32 $0x80, s30  }
0xbd: {  	s31 =	sadd.s32 $0x8, s31;
	v10 =	vld [tilespmem:s30+$0x30];
	[tilespmem:s29+$0x0] =	vst v8;
	v3 =	vmul.f32 v5, v3  }
0xbe: {  	p0 =	slt.u32 s31, $0x278;
	v5 =	vld [tilespmem:s30+$0xFFFFFFC0]  }
0xbf: {  	v8 =	vld [tilespmem:s2+$0xFFFFFFD0];
	[tilespmem:s29+$0x10] =	vst v3;
	v3 =	vmul.f32 v7, v4  }
0xc0: {  	v4 =	vld [tilespmem:s30+$0xFFFFFFD0];
	v11 =	vmul.f32 v2, v6  }
0xc1: {  	v6 =	vld [tilespmem:s2+$0xFFFFFFE0];
	[tilespmem:s29+$0x20] =	vst v3  }
0xc2: {  	v3 =	vld [tilespmem:s30+$0xFFFFFFE0];
	v7 =	vmul.f32 v10, v9;
	[tilespmem:s29+$0xFFFFFFC0] =	vst v11;
	s29 =	smov.u32 s2  }
0xc3: {  	v9 =	vld [tilespmem:s2+$0xFFFFFFF0];
	v2 =	vmov v5  }
0xc4: {  	v10 =	vld [tilespmem:s30+$0xFFFFFFF0];
	[tilespmem:s2+$0x30] =	vst v7  }
0xc5: {  	v4 =	vmul.f32 v4, v8;
	v8 =	vld [tilespmem:s2+$0x0]  }
0xc6: {  	v11 =	vld [tilespmem:s30+$0x0]  }
.Ltmp3:
0xc7: {  	[tilespmem:s2+$0xFFFFFFD0] =	vst v4;
	v4 =	vmul.f32 v3, v6;
	v3 =	vld [tilespmem:s2+$0x10];
	(pc) =	sbr.rel @p0 .LBB2_9-.Ltmp3, $4  }
0xc8: {  	v5 =	vld [tilespmem:s30+$0x10]  }
0xc9: {  	[tilespmem:s2+$0xFFFFFFE0] =	vst v4;
	v9 =	vmul.f32 v10, v9;
	v4 =	vld [tilespmem:s2+$0x20]  }
0xca: {  	v7 =	vld [tilespmem:s30+$0x20]  }
0xcb: {  	s2 =	sadd.s32 $0x80, s2;
	v6 =	vld [tilespmem:s29+$0xFFFFFFC0];
	[tilespmem:s29+$0xFFFFFFF0] =	vst v9;
	v8 =	vmul.f32 v11, v8  }
0xcc: {  	_ =	sdelay $0x1  }
0xcd: {  	v3 =	vmul.f32 v5, v3  }
0xce: {  	[tilespmem:s29+$0x0] =	vst v8;
	v4 =	vmul.f32 v7, v4  }
0xcf: {  	[tilespmem:s29+$0x10] =	vst v3;
	v2 =	vmul.f32 v2, v6  }
0xd0: {  	[tilespmem:s29+$0x20] =	vst v4  }
0xd1: {  	[tilespmem:s29+$0xFFFFFFC0] =	vst v2  }
0xd2: {  	[spmem:s4] =	stream.indirect.scatter.add.f32 [tilespmem:s21], [sflag:$0x3], $0x80, s18, s20, $0xb8;
	[tilespmem:$0x1E1F0] =	vst v63  }
0xd3: {  	s28 =	sadd.s32 $0x1, s28;
	_ =	swait.ge [sflag:s15], $0x2800  }
0xd4: {  	p0 =	sne.s32 s28, $0x7D;
	[sflag:s15] =	ssyncset.done $0x0  }
.Ltmp4:
0xd5: {  	[sflag:s15] =	ssyncadd.s32 $0xFFFFD800;
	(pc) =	sbr.rel @p0 .LBB2_8-.Ltmp4, $4  }
0xd6: {  	[spmem:s5] =	stream.indirect.scatter.add.f32 [tilespmem:s25], [sflag:$0x3], $0x10, s18, s20, $0xb8;
	[tilespmem:$0x1E1F0] =	vst v63  }
0xd7: {  	_ =	swait.ge [sflag:s15], $0x500  }
0xd8: {  	[sflag:s15] =	ssyncset.done $0x0  }
0xd9: {  	[sflag:s15] =	ssyncadd.s32 $0xFFFFFB00  }
0xda: {  	s2 =	stileid.u32  }
0xdb: {  	[bflag:$0x0] =	sbarrier.arrive $0xFFFF;
	s2 =	sshll.u32 s2, $0x6  }
0xdc: {  	s28 =	rddreg [dreg:$0x7];
	s2 =	sor.u32 $0x1C03, s2  }
0xdd: {  	[hbm:s28], [sflag:s2] =	dma.local [spmem:s12], $0x2800  }
0xde: {  	_ =	swait.ge [sflag:s15], $0x2800  }
0xdf: {  	[sflag:s15] =	ssyncset.done $0x0  }
0xe0: {  	s30 =	rddreg [dreg:$0x8];
	[sflag:s15] =	ssyncadd.s32 $0xFFFFD800  }
0xe1: {  	[hbm:s30], [sflag:s2] =	dma.local [spmem:s13], $0x500  }
0xe2: {  	_ =	swait.ge [sflag:s15], $0x500  }
0xe3: {  	s26 =	sadd.s32 $0x1, s26;
	s31 =	rddreg [dreg:$0x9]  }
0xe4: {  	p0 =	sne.s32 s26, s31  }
.Ltmp5:
0xe5: {  	_ = 	snop;
	(pc) =	sbr.rel @p0 .LBB2_1-.Ltmp5, $3  }
0xe6: {  	_ =	sdelay $0x1  }
0xe7: {  	[sflag:s15] =	ssyncset.done $0x0  }
0xe8: {  	[sflag:s15] =	ssyncadd.s32 $0xFFFFFB00  }
0xe9: {  	_ =	sfence.sel $0x180000  }
0xea: {  	[bflag:$0x0] =	sbarrier.arrive $0xFFFF  }
0xeb: {  	_ =	strace $0x9000004A  }
0xec: {  	s0 =	stileid.u32;
	[bflag:$0x2] =	sbarrier.arrive $0xFFFF  }
0xed: {  	p0 =	sne.s32 s0, $0x0;
	s0 =	rddreg [dreg:$0x6]  }
0xee: {  	s0 =	sadd.s32 @!p0 $0x100000, s0  }
0xef: {  	[sflag:s0] =	ssyncadd.tile.s32 @!p0 $0x1;
	_ =	shalt  }
.Lfunc_end2:
_tile_overlayer_lowered:
.L_overlay_start_2:
0xf0: {  	(tag) =	ssettag $0x2  }
0xf1: {  	s0 =	rddreg [dreg:$0x0];
	s2 =	stileid.u32  }
0xf2: {  	s1 =	rddreg [dreg:$0x1];
	p0 =	sne.s32 s2, $0x0  }
0xf3: {  	s3 =	rddreg [dreg:$0x2];
	[bflag:$0x3] =	sbarrier.arrive $0xFFFF;
	s2 =	simm.s32 @!p0 $0x1C03  }
0xf4: {  	[timem:s3], [sflag:s2] =	dma.local @!p0 [hbm:s0], s1  }
0xf5: {  	s0 =	simm.s32 @!p0 $0x3  }
0xf6: {  	_ =	swait.ge @!p0 [sflag:s0], s1  }
0xf7: {  	s1 =	ssub.s32 @!p0 $0x0, s1;
	[sflag:s0] =	ssyncset.done @!p0 $0x0  }
0xf8: {  	[sflag:s0] =	ssyncadd.s32 @!p0 s1  }
0xf9: {  	[bflag:$0x3] =	sbarrier.arrive $0xFFFF  }
0xfa: {  	_ =	shalt  }

</sc_bundles>
